<compile_context>
chip_gen: v7x
topology: tpu7x:2x2x1
jax: 0.10.2.dev20260603
libtpu: 0.0.44.dev20260713+nightly
codegen_flags: <defaults>
</compile_context>

<pallas_src>
import functools

import jax
import jax.numpy as jnp
import numpy as np
from jax import lax
from jax.experimental import pallas as pl
from jax.experimental.pallas import tpu as pltpu
from jax.experimental.pallas import tpu_sc as plsc

N = 10000
E = 160000
D = 256
NG = 2
GW = D // NG
NPAD = 10240
STRIPE = NPAD // 16
NC = 2
NS = 16

AGG_CHUNK = 128
AGG_NCHUNK = 79
EP_TILE = AGG_CHUNK * AGG_NCHUNK
E_PAD = EP_TILE * NS

DEG_CHUNK = 40
DEG_NCHUNK = (E // (NC * NS)) // DEG_CHUNK

ROWS = 2000
GRID = N // ROWS

_SQRT_HALF = np.float32(1.0 / np.sqrt(2.0))


def _sc_mesh():
  return plsc.VectorSubcoreMesh(
      core_axis_name="c", subcore_axis_name="s", num_cores=NC,
      num_subcores=NS)


@functools.partial(
    pl.kernel,
    out_type=jax.ShapeDtypeStruct((NC, NPAD), jnp.float32),
    mesh=_sc_mesh(),
    scratch_types=[
        pltpu.VMEM((DEG_NCHUNK, DEG_CHUNK), jnp.int32),
        pltpu.VMEM((DEG_CHUNK,), jnp.float32),
        pltpu.VMEM_SHARED((NPAD,), jnp.float32),
        pltpu.SemaphoreType.DMA,
    ],
)
def _deg_kernel(dst_hbm, ones_hbm, zeros_hbm, out_hbm, idx_v, ones_v,
                cnt_sh, sem):
  c = lax.axis_index("c")
  s = lax.axis_index("s")
  pltpu.sync_copy(dst_hbm.at[c, s], idx_v)
  pltpu.sync_copy(ones_hbm, ones_v)
  pltpu.sync_copy(zeros_hbm, cnt_sh.at[pl.ds(s * STRIPE, STRIPE)])
  plsc.subcore_barrier()

  def step(g, carry):
    base = g * 5
    for k in range(5):
      pltpu.async_copy(ones_v, cnt_sh.at[idx_v.at[base + k]], sem, add=True)
    for k in range(5):
      pltpu.make_async_copy(
          ones_v, cnt_sh.at[idx_v.at[base + k]], sem).wait()
    return carry

  lax.fori_loop(0, DEG_NCHUNK // 5, step, 0)
  plsc.subcore_barrier()
  pltpu.sync_copy(cnt_sh.at[pl.ds(s * STRIPE, STRIPE)],
                  out_hbm.at[c].at[pl.ds(s * STRIPE, STRIPE)])


@functools.partial(
    pl.kernel,
    out_type=jax.ShapeDtypeStruct((NG, NPAD, GW), jnp.float32),
    mesh=_sc_mesh(),
    scratch_types=[
        pltpu.VMEM((2, AGG_CHUNK), jnp.int32),
        pltpu.VMEM((AGG_NCHUNK, AGG_CHUNK), jnp.int32),
        pltpu.VMEM((2, AGG_CHUNK, GW), jnp.float32),
        pltpu.VMEM_SHARED((NPAD, GW), jnp.float32),
        pltpu.SemaphoreType.DMA,
        pltpu.SemaphoreType.DMA,
    ],
)
def _agg_kernel(hl_hbm, hr_hbm, src_hbm, dstidx_hbm,
                zeros_hbm, out_hbm, sidx_v, didx_v, buf_v, agg_sh,
                gsem, isem):
  c = lax.axis_index("c")
  s = lax.axis_index("s")
  pltpu.sync_copy(dstidx_hbm.at[s], didx_v)
  pltpu.sync_copy(zeros_hbm, agg_sh.at[pl.ds(s * STRIPE, STRIPE)])
  plsc.subcore_barrier()

  def pipeline(tbl):
    pltpu.sync_copy(src_hbm.at[s, 0], sidx_v.at[0])
    pltpu.async_copy(src_hbm.at[s, 1], sidx_v.at[1], isem)
    pltpu.async_copy(tbl.at[sidx_v.at[0]], buf_v.at[0], gsem)

    def step(j, carry):
      cur = lax.rem(j, 2)
      nxt = 1 - cur
      pltpu.make_async_copy(
          tbl.at[sidx_v.at[cur]], buf_v.at[cur], gsem).wait()

      @pl.when(j < AGG_NCHUNK - 1)
      def _():
        pltpu.make_async_copy(
            src_hbm.at[s, j + 1], sidx_v.at[nxt], isem).wait()
        pltpu.async_copy(tbl.at[sidx_v.at[nxt]], buf_v.at[nxt], gsem)

      @pl.when(j < AGG_NCHUNK - 2)
      def _():
        pltpu.async_copy(src_hbm.at[s, j + 2], sidx_v.at[cur], isem)

      pltpu.sync_copy(buf_v.at[cur], agg_sh.at[didx_v.at[j]], add=True)
      return carry

    lax.fori_loop(0, AGG_NCHUNK, step, 0)

  @pl.when(c == 0)
  def _():
    pipeline(hl_hbm)

  @pl.when(c == 1)
  def _():
    pipeline(hr_hbm)

  plsc.subcore_barrier()
  pltpu.sync_copy(agg_sh.at[pl.ds(s * STRIPE, STRIPE)],
                  out_hbm.at[c].at[pl.ds(s * STRIPE, STRIPE)])


def _dinv_from(degt):
  return lax.rsqrt(jnp.sum(degt, axis=-1, keepdims=True) + 1.0)


def _ln(v, g, b):
  mu = jnp.mean(v, axis=-1, keepdims=True)
  xc = v - mu
  var = jnp.mean(xc * xc, axis=-1, keepdims=True)
  return xc * lax.rsqrt(var + 1e-5) * g + b


def _gelu(v):
  return 0.5 * v * (1.0 + lax.erf(v * _SQRT_HALF))


def _t1_body(x_ref, w_ref, degt_ref, *h_refs):
  h = jnp.dot(x_ref[...], w_ref[...],
              preferred_element_type=jnp.float32,
              precision=lax.Precision.HIGHEST)
  h = h * _dinv_from(degt_ref[...])
  for g in range(NG):
    h_refs[g][...] = h[:, g * GW:(g + 1) * GW]


def _t2_body(a0, a1, h0, h1, degt_ref, b1_ref, g1_ref,
             bb1_ref, w2_ref, *o_refs):
  dinv = _dinv_from(degt_ref[...])
  agg = jnp.concatenate([a0[0], a1[0]], axis=-1)
  hp = jnp.concatenate([h0[...], h1[...]], axis=-1)
  conv = dinv * (agg + hp) + b1_ref[...]
  o1 = _gelu(_ln(conv, g1_ref[...], bb1_ref[...]))
  hh = jnp.dot(o1, w2_ref[...],
               preferred_element_type=jnp.float32,
               precision=lax.Precision.HIGHEST)
  hh = hh * dinv
  for g in range(NG):
    o_refs[g][...] = hh[:, g * GW:(g + 1) * GW]


def _t3_body(a0, a1, h0, h1, degt_ref, b2_ref, g2_ref,
             bb2_ref, x_ref, out_ref):
  dinv = _dinv_from(degt_ref[...])
  agg = jnp.concatenate([a0[0], a1[0]], axis=-1)
  hp = jnp.concatenate([h0[...], h1[...]], axis=-1)
  conv = dinv * (agg + hp) + b2_ref[...]
  out_ref[...] = _gelu(_ln(conv, g2_ref[...], bb2_ref[...]) + x_ref[...])


def _row_spec(cols):
  return pl.BlockSpec((ROWS, cols), lambda i: (i, 0))


def _full_spec(shape):
  nd = len(shape)
  return pl.BlockSpec(shape, lambda i: (0,) * nd)


def _agg_spec(group):
  return pl.BlockSpec((1, ROWS, GW), lambda i, g=group: (g, i, 0))


_DEGT_SPEC = pl.BlockSpec((ROWS, NC), lambda i: (i, 0))
_AGG_SPECS = [_agg_spec(g) for g in range(NG)]
_H_SPECS = [_row_spec(GW)] * NG
_H_SHAPES = [jax.ShapeDtypeStruct((N, GW), jnp.float32)] * NG

_t1 = pl.pallas_call(
    _t1_body,
    grid=(GRID,),
    in_specs=[_row_spec(D), _full_spec((D, D)), _DEGT_SPEC],
    out_specs=_H_SPECS,
    out_shape=_H_SHAPES,
)

_t2 = pl.pallas_call(
    _t2_body,
    grid=(GRID,),
    in_specs=_AGG_SPECS + _H_SPECS +
             [_DEGT_SPEC, _full_spec((D,)), _full_spec((D,)),
              _full_spec((D,)), _full_spec((D, D))],
    out_specs=_H_SPECS,
    out_shape=_H_SHAPES,
)

_t3 = pl.pallas_call(
    _t3_body,
    grid=(GRID,),
    in_specs=_AGG_SPECS + _H_SPECS +
             [_DEGT_SPEC, _full_spec((D,)), _full_spec((D,)),
              _full_spec((D,)), _row_spec(D)],
    out_specs=pl.BlockSpec((ROWS, D), lambda i: (i, 0)),
    out_shape=jax.ShapeDtypeStruct((N, D), jnp.float32),
)


@jax.jit
def kernel(x, edge_index, W1, b1, W2, b2, ln1_g, ln1_b, ln2_g, ln2_b):
  npad = E_PAD - E
  pad_src = jnp.arange(npad, dtype=jnp.int32) % N
  pad_dst = jnp.arange(npad, dtype=jnp.int32) % (NPAD - N) + N
  src = jnp.concatenate([edge_index[0], pad_src]).reshape(
      NS, AGG_NCHUNK, AGG_CHUNK)
  dst = jnp.concatenate([edge_index[1], pad_dst]).reshape(
      NS, AGG_NCHUNK, AGG_CHUNK)
  dst_deg = edge_index[1].reshape(NC, NS, DEG_NCHUNK, DEG_CHUNK)

  ones_c = jnp.ones((DEG_CHUNK,), jnp.float32)
  zeros_1 = jnp.zeros((STRIPE,), jnp.float32)
  zeros_2 = jnp.zeros((STRIPE, GW), jnp.float32)

  degp = _deg_kernel(dst_deg, ones_c, zeros_1)
  degt = degp.T

  h1 = _t1(x, W1, degt)
  agg1 = _agg_kernel(*h1, src, dst, zeros_2)
  h2 = _t2(agg1, agg1, *h1, degt, b1, ln1_g, ln1_b, W2)
  agg2 = _agg_kernel(*h2, src, dst, zeros_2)
  out = _t3(agg2, agg2, *h2, degt, b2, ln2_g, ln2_b, x)
  return out

# --- scband reference (transcript-rebuilt; emitter-appended) ---
"""Pipeline reference for scband-residual-gcnblock-28475633172519 (READ-ONLY COPY).

The authoritative reference and input builder live on the scoring server;
editing this copy changes nothing except your own understanding.
"""

import jax, jax.numpy as jnp
import numpy as np

N = 10000
E = 160000
D = 256
H = 256


def layer_norm(x, g, b, eps=1e-5):
    mu = jnp.mean(x, axis=-1, keepdims=True)
    var = jnp.var(x, axis=-1, keepdims=True)
    return (x - mu) / jnp.sqrt(var + eps) * g + b


def gcn_conv(x, edge_index, W, b):
    # PyG-style GCNConv: add self loops, symmetric normalization D^-1/2 (A+I) D^-1/2 (X W) + bias
    src = edge_index[0]
    dst = edge_index[1]
    loop = jnp.arange(N, dtype=src.dtype)
    src = jnp.concatenate([src, loop])
    dst = jnp.concatenate([dst, loop])
    deg = jax.ops.segment_sum(jnp.ones(src.shape[0], dtype=x.dtype), dst, num_segments=N)
    dinv = jnp.where(deg > 0, jax.lax.rsqrt(deg), 0.0)
    norm = dinv[src] * dinv[dst]
    h = x @ W
    msg = h[src] * norm[:, None]
    out = jax.ops.segment_sum(msg, dst, num_segments=N)
    return out + b


def setup_inputs(seed: int = 0):
    key = jax.random.key(seed)
    ks = jax.random.split(key, 6)
    x = jax.random.normal(ks[0], (N, D), dtype=jnp.float32)
    edge_index = jax.random.randint(ks[1], (2, E), 0, N, dtype=jnp.int32)
    W1 = jax.random.normal(ks[2], (D, H), dtype=jnp.float32) / np.sqrt(D)
    b1 = jnp.zeros((H,), dtype=jnp.float32)
    W2 = jax.random.normal(ks[3], (H, H), dtype=jnp.float32) / np.sqrt(H)
    b2 = jnp.zeros((H,), dtype=jnp.float32)
    ln1_g = jnp.ones((H,), dtype=jnp.float32)
    ln1_b = jnp.zeros((H,), dtype=jnp.float32)
    ln2_g = jnp.ones((H,), dtype=jnp.float32)
    ln2_b = jnp.zeros((H,), dtype=jnp.float32)
    return {"x": x, "edge_index": edge_index, "W1": W1, "b1": b1, "W2": W2, "b2": b2,
            "ln1_g": ln1_g, "ln1_b": ln1_b, "ln2_g": ln2_g, "ln2_b": ln2_b}


def reference(x, edge_index, W1, b1, W2, b2, ln1_g, ln1_b, ln2_g, ln2_b):
    # dropout is identity in eval mode; input_dim == hidden_dim so skip_projection is None
    out = gcn_conv(x, edge_index, W1, b1)
    out = layer_norm(out, ln1_g, ln1_b)
    out = jax.nn.gelu(out, approximate=False)
    out = gcn_conv(out, edge_index, W2, b2)
    out = layer_norm(out, ln2_g, ln2_b)
    out = out + x
    out = jax.nn.gelu(out, approximate=False)
    return out

if __name__ == "__main__":
    import jax
    _d = setup_inputs()
    print(jax.jit(kernel)(*tuple(_d.values())))

</pallas_src>

<mosaic_0001>
#map = affine_map<(d0, d1) -> (0, 0, 0, 0)>
#map1 = affine_map<(d0, d1) -> (0)>
#map2 = affine_map<(d0, d1) -> (0, 0)>
module attributes {stable_mosaic.version = 14 : i64} {
  func.func @_deg_kernel(%arg0: i32, %arg1: i32, %arg2: memref<2x16x125x40xi32, #tpu.memory_space<hbm>>, %arg3: memref<40xf32, #tpu.memory_space<hbm>>, %arg4: memref<640xf32, #tpu.memory_space<hbm>>, %arg5: memref<2x10240xf32, #tpu.memory_space<hbm>>, %arg6: memref<125x40xi32, #tpu.memory_space<vmem>>, %arg7: memref<40xf32, #tpu.memory_space<vmem>>, %arg8: memref<10240xf32, #tpu.memory_space<vmem_shared>>, %arg9: memref<!tpu.dma_semaphore, #tpu.memory_space<semaphore_mem>>) attributes {dimension_semantics = [#tpu.dimension_semantics<core_parallel>, #tpu.dimension_semantics<subcore_parallel>], iteration_bounds = array<i64: 2, 16>, scalar_prefetch = 0 : i64, scratch_operands = 4 : i64, tpu.core_type = #tpu.core_type<sc_vector_subcore>, window_params = [{transform_indices = #map}, {transform_indices = #map1}, {transform_indices = #map1}, {transform_indices = #map2}]} {
    "tpu.region"() ({
      %run_scoped3A = tpu.sem_alloc : memref<!tpu.dma_semaphore, #tpu.memory_space<semaphore_mem>>
      %dma_start3A = arith.constant 0 : i32
      %dma_start3A_11 = arith.constant 0 : i32
      %dma_start3A_12 = tpu.memref_slice %arg2[%arg0, %arg1, %dma_start3A, %dma_start3A_11] : memref<2x16x125x40xi32, #tpu.memory_space<hbm>> -> memref<1x1x125x40xi32, #tpu.memory_space<hbm>>
      %dma_start3A_13 = tpu.memref_squeeze %dma_start3A_12 : memref<1x1x125x40xi32, #tpu.memory_space<hbm>> -> memref<125x40xi32, #tpu.memory_space<hbm>>
      %dma_start3A_14 = arith.constant 0 : i32
      %dma_start3A_15 = arith.constant 0 : i32
      %dma_start3A_16 = tpu.memref_slice %arg2[%arg0, %arg1, %dma_start3A_14, %dma_start3A_15] : memref<2x16x125x40xi32, #tpu.memory_space<hbm>> -> memref<1x1x125x40xi32, #tpu.memory_space<hbm>>
      %dma_start3A_17 = tpu.memref_squeeze %dma_start3A_16 : memref<1x1x125x40xi32, #tpu.memory_space<hbm>> -> memref<125x40xi32, #tpu.memory_space<hbm>>
      tpu.enqueue_dma source(%dma_start3A_17 : memref<125x40xi32, #tpu.memory_space<hbm>>) target(%arg6 : memref<125x40xi32, #tpu.memory_space<vmem>>) target_semaphore(%run_scoped3A : memref<!tpu.dma_semaphore, #tpu.memory_space<semaphore_mem>>)
      %dma_wait3A = arith.constant 0 : i32
      %dma_wait3A_18 = arith.constant 0 : i32
      %dma_wait3A_19 = tpu.memref_slice %arg2[%arg0, %arg1, %dma_wait3A, %dma_wait3A_18] : memref<2x16x125x40xi32, #tpu.memory_space<hbm>> -> memref<1x1x125x40xi32, #tpu.memory_space<hbm>>
      %dma_wait3A_20 = tpu.memref_squeeze %dma_wait3A_19 : memref<1x1x125x40xi32, #tpu.memory_space<hbm>> -> memref<125x40xi32, #tpu.memory_space<hbm>>
      %dma_wait3A_21 = arith.constant 0 : i32
      %dma_wait3A_22 = arith.constant 0 : i32
      %dma_wait3A_23 = tpu.memref_slice %arg2[%arg0, %arg1, %dma_wait3A_21, %dma_wait3A_22] : memref<2x16x125x40xi32, #tpu.memory_space<hbm>> -> memref<1x1x125x40xi32, #tpu.memory_space<hbm>>
      %dma_wait3A_24 = tpu.memref_squeeze %dma_wait3A_23 : memref<1x1x125x40xi32, #tpu.memory_space<hbm>> -> memref<125x40xi32, #tpu.memory_space<hbm>>
      tpu.wait_dma2 semaphore(%run_scoped3A : memref<!tpu.dma_semaphore, #tpu.memory_space<semaphore_mem>>) src(%dma_wait3A_24 : memref<125x40xi32, #tpu.memory_space<hbm>>) dst(%arg6 : memref<125x40xi32, #tpu.memory_space<vmem>>)
      tpu.yield
    }) : () -> ()
    "tpu.region"() ({
      %run_scoped3A = tpu.sem_alloc : memref<!tpu.dma_semaphore, #tpu.memory_space<semaphore_mem>>
      tpu.enqueue_dma source(%arg3 : memref<40xf32, #tpu.memory_space<hbm>>) target(%arg7 : memref<40xf32, #tpu.memory_space<vmem>>) target_semaphore(%run_scoped3A : memref<!tpu.dma_semaphore, #tpu.memory_space<semaphore_mem>>)
      tpu.wait_dma2 semaphore(%run_scoped3A : memref<!tpu.dma_semaphore, #tpu.memory_space<semaphore_mem>>) src(%arg3 : memref<40xf32, #tpu.memory_space<hbm>>) dst(%arg7 : memref<40xf32, #tpu.memory_space<vmem>>)
      tpu.yield
    }) : () -> ()
    %mul3A = arith.constant 640 : i32
    %mul3A_0 = arith.muli %arg1, %mul3A : i32
    "tpu.region"() ({
      %run_scoped3A = tpu.sem_alloc : memref<!tpu.dma_semaphore, #tpu.memory_space<semaphore_mem>>
      %dma_start3A = tpu.memref_slice %arg8[%mul3A_0] : memref<10240xf32, #tpu.memory_space<vmem_shared>> -> memref<640xf32, #tpu.memory_space<vmem_shared>>
      tpu.enqueue_dma source(%arg4 : memref<640xf32, #tpu.memory_space<hbm>>) target(%dma_start3A : memref<640xf32, #tpu.memory_space<vmem_shared>>) target_semaphore(%run_scoped3A : memref<!tpu.dma_semaphore, #tpu.memory_space<semaphore_mem>>)
      %dma_wait3A = tpu.memref_slice %arg8[%mul3A_0] : memref<10240xf32, #tpu.memory_space<vmem_shared>> -> memref<640xf32, #tpu.memory_space<vmem_shared>>
      tpu.wait_dma2 semaphore(%run_scoped3A : memref<!tpu.dma_semaphore, #tpu.memory_space<semaphore_mem>>) src(%arg4 : memref<640xf32, #tpu.memory_space<hbm>>) dst(%dma_wait3A : memref<640xf32, #tpu.memory_space<vmem_shared>>)
      tpu.yield
    }) : () -> ()
    %barrier3A = arith.constant 0 : index
    tpu.barrier barrier_id(%barrier3A)
    %scan3A = arith.constant 0 : i32
    %scan3A_1 = arith.constant 0 : i32
    %scan3A_2 = arith.constant 25 : i32
    %scan3A_3 = arith.addi %scan3A_1, %scan3A_2 : i32
    %scan3A_4 = arith.constant 1 : i32
    scf.for %scan3A_11 = %scan3A_1 to %scan3A_3 step %scan3A_4  : i32 {
      %mul3A_12 = arith.constant 5 : i32
      %mul3A_13 = arith.muli %scan3A_11, %mul3A_12 : i32
      %add3A = arith.constant 0 : i32
      %add3A_14 = arith.addi %mul3A_13, %add3A : i32
      %dma_start3A = arith.constant 0 : i32
      %dma_start3A_15 = tpu.memref_slice %arg6[%add3A_14, %dma_start3A] : memref<125x40xi32, #tpu.memory_space<vmem>> -> memref<1x40xi32, #tpu.memory_space<vmem>>
      %dma_start3A_16 = tpu.memref_squeeze %dma_start3A_15 : memref<1x40xi32, #tpu.memory_space<vmem>> -> memref<40xi32, #tpu.memory_space<vmem>>
      %dma_start3A_17 = arith.constant 0 : i32
      %dma_start3A_18 = tpu.memref_slice %arg8[%dma_start3A_17] : memref<10240xf32, #tpu.memory_space<vmem_shared>> -> memref<10240xf32, #tpu.memory_space<vmem_shared>>
      tpu.enqueue_indirect_dma source(%arg7 : memref<40xf32, #tpu.memory_space<vmem>>) target(%dma_start3A_18 : memref<10240xf32, #tpu.memory_space<vmem_shared>>) offsets(%dma_start3A_16 : memref<40xi32, #tpu.memory_space<vmem>>) semaphore(%arg9 : memref<!tpu.dma_semaphore, #tpu.memory_space<semaphore_mem>>) {add = true}
      %add3A_19 = arith.constant 1 : i32
      %add3A_20 = arith.addi %mul3A_13, %add3A_19 : i32
      %dma_start3A_21 = arith.constant 0 : i32
      %dma_start3A_22 = tpu.memref_slice %arg6[%add3A_20, %dma_start3A_21] : memref<125x40xi32, #tpu.memory_space<vmem>> -> memref<1x40xi32, #tpu.memory_space<vmem>>
      %dma_start3A_23 = tpu.memref_squeeze %dma_start3A_22 : memref<1x40xi32, #tpu.memory_space<vmem>> -> memref<40xi32, #tpu.memory_space<vmem>>
      %dma_start3A_24 = arith.constant 0 : i32
      %dma_start3A_25 = tpu.memref_slice %arg8[%dma_start3A_24] : memref<10240xf32, #tpu.memory_space<vmem_shared>> -> memref<10240xf32, #tpu.memory_space<vmem_shared>>
      tpu.enqueue_indirect_dma source(%arg7 : memref<40xf32, #tpu.memory_space<vmem>>) target(%dma_start3A_25 : memref<10240xf32, #tpu.memory_space<vmem_shared>>) offsets(%dma_start3A_23 : memref<40xi32, #tpu.memory_space<vmem>>) semaphore(%arg9 : memref<!tpu.dma_semaphore, #tpu.memory_space<semaphore_mem>>) {add = true}
      %add3A_26 = arith.constant 2 : i32
      %add3A_27 = arith.addi %mul3A_13, %add3A_26 : i32
      %dma_start3A_28 = arith.constant 0 : i32
      %dma_start3A_29 = tpu.memref_slice %arg6[%add3A_27, %dma_start3A_28] : memref<125x40xi32, #tpu.memory_space<vmem>> -> memref<1x40xi32, #tpu.memory_space<vmem>>
      %dma_start3A_30 = tpu.memref_squeeze %dma_start3A_29 : memref<1x40xi32, #tpu.memory_space<vmem>> -> memref<40xi32, #tpu.memory_space<vmem>>
      %dma_start3A_31 = arith.constant 0 : i32
      %dma_start3A_32 = tpu.memref_slice %arg8[%dma_start3A_31] : memref<10240xf32, #tpu.memory_space<vmem_shared>> -> memref<10240xf32, #tpu.memory_space<vmem_shared>>
      tpu.enqueue_indirect_dma source(%arg7 : memref<40xf32, #tpu.memory_space<vmem>>) target(%dma_start3A_32 : memref<10240xf32, #tpu.memory_space<vmem_shared>>) offsets(%dma_start3A_30 : memref<40xi32, #tpu.memory_space<vmem>>) semaphore(%arg9 : memref<!tpu.dma_semaphore, #tpu.memory_space<semaphore_mem>>) {add = true}
      %add3A_33 = arith.constant 3 : i32
      %add3A_34 = arith.addi %mul3A_13, %add3A_33 : i32
      %dma_start3A_35 = arith.constant 0 : i32
      %dma_start3A_36 = tpu.memref_slice %arg6[%add3A_34, %dma_start3A_35] : memref<125x40xi32, #tpu.memory_space<vmem>> -> memref<1x40xi32, #tpu.memory_space<vmem>>
      %dma_start3A_37 = tpu.memref_squeeze %dma_start3A_36 : memref<1x40xi32, #tpu.memory_space<vmem>> -> memref<40xi32, #tpu.memory_space<vmem>>
      %dma_start3A_38 = arith.constant 0 : i32
      %dma_start3A_39 = tpu.memref_slice %arg8[%dma_start3A_38] : memref<10240xf32, #tpu.memory_space<vmem_shared>> -> memref<10240xf32, #tpu.memory_space<vmem_shared>>
      tpu.enqueue_indirect_dma source(%arg7 : memref<40xf32, #tpu.memory_space<vmem>>) target(%dma_start3A_39 : memref<10240xf32, #tpu.memory_space<vmem_shared>>) offsets(%dma_start3A_37 : memref<40xi32, #tpu.memory_space<vmem>>) semaphore(%arg9 : memref<!tpu.dma_semaphore, #tpu.memory_space<semaphore_mem>>) {add = true}
      %add3A_40 = arith.constant 4 : i32
      %add3A_41 = arith.addi %mul3A_13, %add3A_40 : i32
      %dma_start3A_42 = arith.constant 0 : i32
      %dma_start3A_43 = tpu.memref_slice %arg6[%add3A_41, %dma_start3A_42] : memref<125x40xi32, #tpu.memory_space<vmem>> -> memref<1x40xi32, #tpu.memory_space<vmem>>
      %dma_start3A_44 = tpu.memref_squeeze %dma_start3A_43 : memref<1x40xi32, #tpu.memory_space<vmem>> -> memref<40xi32, #tpu.memory_space<vmem>>
      %dma_start3A_45 = arith.constant 0 : i32
      %dma_start3A_46 = tpu.memref_slice %arg8[%dma_start3A_45] : memref<10240xf32, #tpu.memory_space<vmem_shared>> -> memref<10240xf32, #tpu.memory_space<vmem_shared>>
      tpu.enqueue_indirect_dma source(%arg7 : memref<40xf32, #tpu.memory_space<vmem>>) target(%dma_start3A_46 : memref<10240xf32, #tpu.memory_space<vmem_shared>>) offsets(%dma_start3A_44 : memref<40xi32, #tpu.memory_space<vmem>>) semaphore(%arg9 : memref<!tpu.dma_semaphore, #tpu.memory_space<semaphore_mem>>) {add = true}
      %add3A_47 = arith.constant 0 : i32
      %add3A_48 = arith.addi %mul3A_13, %add3A_47 : i32
      %dma_wait3A = arith.constant 0 : i32
      %dma_wait3A_49 = tpu.memref_slice %arg6[%add3A_48, %dma_wait3A] : memref<125x40xi32, #tpu.memory_space<vmem>> -> memref<1x40xi32, #tpu.memory_space<vmem>>
      %dma_wait3A_50 = tpu.memref_squeeze %dma_wait3A_49 : memref<1x40xi32, #tpu.memory_space<vmem>> -> memref<40xi32, #tpu.memory_space<vmem>>
      %dma_wait3A_51 = arith.constant 0 : i32
      %dma_wait3A_52 = tpu.memref_slice %arg8[%dma_wait3A_51] : memref<10240xf32, #tpu.memory_space<vmem_shared>> -> memref<10240xf32, #tpu.memory_space<vmem_shared>>
      tpu.wait_indirect_dma semaphore(%arg9 : memref<!tpu.dma_semaphore, #tpu.memory_space<semaphore_mem>>) src(%arg7 : memref<40xf32, #tpu.memory_space<vmem>>) dst(%dma_wait3A_52 : memref<10240xf32, #tpu.memory_space<vmem_shared>>)
      %add3A_53 = arith.constant 1 : i32
      %add3A_54 = arith.addi %mul3A_13, %add3A_53 : i32
      %dma_wait3A_55 = arith.constant 0 : i32
      %dma_wait3A_56 = tpu.memref_slice %arg6[%add3A_54, %dma_wait3A_55] : memref<125x40xi32, #tpu.memory_space<vmem>> -> memref<1x40xi32, #tpu.memory_space<vmem>>
      %dma_wait3A_57 = tpu.memref_squeeze %dma_wait3A_56 : memref<1x40xi32, #tpu.memory_space<vmem>> -> memref<40xi32, #tpu.memory_space<vmem>>
      %dma_wait3A_58 = arith.constant 0 : i32
      %dma_wait3A_59 = tpu.memref_slice %arg8[%dma_wait3A_58] : memref<10240xf32, #tpu.memory_space<vmem_shared>> -> memref<10240xf32, #tpu.memory_space<vmem_shared>>
      tpu.wait_indirect_dma semaphore(%arg9 : memref<!tpu.dma_semaphore, #tpu.memory_space<semaphore_mem>>) src(%arg7 : memref<40xf32, #tpu.memory_space<vmem>>) dst(%dma_wait3A_59 : memref<10240xf32, #tpu.memory_space<vmem_shared>>)
      %add3A_60 = arith.constant 2 : i32
      %add3A_61 = arith.addi %mul3A_13, %add3A_60 : i32
      %dma_wait3A_62 = arith.constant 0 : i32
      %dma_wait3A_63 = tpu.memref_slice %arg6[%add3A_61, %dma_wait3A_62] : memref<125x40xi32, #tpu.memory_space<vmem>> -> memref<1x40xi32, #tpu.memory_space<vmem>>
      %dma_wait3A_64 = tpu.memref_squeeze %dma_wait3A_63 : memref<1x40xi32, #tpu.memory_space<vmem>> -> memref<40xi32, #tpu.memory_space<vmem>>
      %dma_wait3A_65 = arith.constant 0 : i32
      %dma_wait3A_66 = tpu.memref_slice %arg8[%dma_wait3A_65] : memref<10240xf32, #tpu.memory_space<vmem_shared>> -> memref<10240xf32, #tpu.memory_space<vmem_shared>>
      tpu.wait_indirect_dma semaphore(%arg9 : memref<!tpu.dma_semaphore, #tpu.memory_space<semaphore_mem>>) src(%arg7 : memref<40xf32, #tpu.memory_space<vmem>>) dst(%dma_wait3A_66 : memref<10240xf32, #tpu.memory_space<vmem_shared>>)
      %add3A_67 = arith.constant 3 : i32
      %add3A_68 = arith.addi %mul3A_13, %add3A_67 : i32
      %dma_wait3A_69 = arith.constant 0 : i32
      %dma_wait3A_70 = tpu.memref_slice %arg6[%add3A_68, %dma_wait3A_69] : memref<125x40xi32, #tpu.memory_space<vmem>> -> memref<1x40xi32, #tpu.memory_space<vmem>>
      %dma_wait3A_71 = tpu.memref_squeeze %dma_wait3A_70 : memref<1x40xi32, #tpu.memory_space<vmem>> -> memref<40xi32, #tpu.memory_space<vmem>>
      %dma_wait3A_72 = arith.constant 0 : i32
      %dma_wait3A_73 = tpu.memref_slice %arg8[%dma_wait3A_72] : memref<10240xf32, #tpu.memory_space<vmem_shared>> -> memref<10240xf32, #tpu.memory_space<vmem_shared>>
      tpu.wait_indirect_dma semaphore(%arg9 : memref<!tpu.dma_semaphore, #tpu.memory_space<semaphore_mem>>) src(%arg7 : memref<40xf32, #tpu.memory_space<vmem>>) dst(%dma_wait3A_73 : memref<10240xf32, #tpu.memory_space<vmem_shared>>)
      %add3A_74 = arith.constant 4 : i32
      %add3A_75 = arith.addi %mul3A_13, %add3A_74 : i32
      %dma_wait3A_76 = arith.constant 0 : i32
      %dma_wait3A_77 = tpu.memref_slice %arg6[%add3A_75, %dma_wait3A_76] : memref<125x40xi32, #tpu.memory_space<vmem>> -> memref<1x40xi32, #tpu.memory_space<vmem>>
      %dma_wait3A_78 = tpu.memref_squeeze %dma_wait3A_77 : memref<1x40xi32, #tpu.memory_space<vmem>> -> memref<40xi32, #tpu.memory_space<vmem>>
      %dma_wait3A_79 = arith.constant 0 : i32
      %dma_wait3A_80 = tpu.memref_slice %arg8[%dma_wait3A_79] : memref<10240xf32, #tpu.memory_space<vmem_shared>> -> memref<10240xf32, #tpu.memory_space<vmem_shared>>
      tpu.wait_indirect_dma semaphore(%arg9 : memref<!tpu.dma_semaphore, #tpu.memory_space<semaphore_mem>>) src(%arg7 : memref<40xf32, #tpu.memory_space<vmem>>) dst(%dma_wait3A_80 : memref<10240xf32, #tpu.memory_space<vmem_shared>>)
    }
    %scan3A_5 = arith.constant 25 : i32
    %barrier3A_6 = arith.constant 0 : index
    tpu.barrier barrier_id(%barrier3A_6)
    %mul3A_7 = arith.constant 640 : i32
    %mul3A_8 = arith.muli %arg1, %mul3A_7 : i32
    %mul3A_9 = arith.constant 640 : i32
    %mul3A_10 = arith.muli %arg1, %mul3A_9 : i32
    "tpu.region"() ({
      %run_scoped3A = tpu.sem_alloc : memref<!tpu.dma_semaphore, #tpu.memory_space<semaphore_mem>>
      %dma_start3A = arith.constant 0 : i32
      %dma_start3A_11 = tpu.memref_slice %arg5[%arg0, %dma_start3A] : memref<2x10240xf32, #tpu.memory_space<hbm>> -> memref<1x10240xf32, #tpu.memory_space<hbm>>
      %dma_start3A_12 = tpu.memref_squeeze %dma_start3A_11 : memref<1x10240xf32, #tpu.memory_space<hbm>> -> memref<10240xf32, #tpu.memory_space<hbm>>
      %dma_start3A_13 = tpu.memref_slice %dma_start3A_12[%mul3A_10] : memref<10240xf32, #tpu.memory_space<hbm>> -> memref<640xf32, #tpu.memory_space<hbm>>
      %dma_start3A_14 = tpu.memref_slice %arg8[%mul3A_8] : memref<10240xf32, #tpu.memory_space<vmem_shared>> -> memref<640xf32, #tpu.memory_space<vmem_shared>>
      tpu.enqueue_dma source(%dma_start3A_14 : memref<640xf32, #tpu.memory_space<vmem_shared>>) target(%dma_start3A_13 : memref<640xf32, #tpu.memory_space<hbm>>) target_semaphore(%run_scoped3A : memref<!tpu.dma_semaphore, #tpu.memory_space<semaphore_mem>>)
      %dma_wait3A = arith.constant 0 : i32
      %dma_wait3A_15 = tpu.memref_slice %arg5[%arg0, %dma_wait3A] : memref<2x10240xf32, #tpu.memory_space<hbm>> -> memref<1x10240xf32, #tpu.memory_space<hbm>>
      %dma_wait3A_16 = tpu.memref_squeeze %dma_wait3A_15 : memref<1x10240xf32, #tpu.memory_space<hbm>> -> memref<10240xf32, #tpu.memory_space<hbm>>
      %dma_wait3A_17 = tpu.memref_slice %dma_wait3A_16[%mul3A_10] : memref<10240xf32, #tpu.memory_space<hbm>> -> memref<640xf32, #tpu.memory_space<hbm>>
      %dma_wait3A_18 = tpu.memref_slice %arg8[%mul3A_8] : memref<10240xf32, #tpu.memory_space<vmem_shared>> -> memref<640xf32, #tpu.memory_space<vmem_shared>>
      tpu.wait_dma2 semaphore(%run_scoped3A : memref<!tpu.dma_semaphore, #tpu.memory_space<semaphore_mem>>) src(%dma_wait3A_18 : memref<640xf32, #tpu.memory_space<vmem_shared>>) dst(%dma_wait3A_17 : memref<640xf32, #tpu.memory_space<hbm>>)
      tpu.yield
    }) : () -> ()
    return
  }
}

#map = affine_map<(d0, d1) -> (0, 0)>
#map1 = affine_map<(d0, d1) -> (0, 0, 0)>
module attributes {stable_mosaic.version = 14 : i64} {
  func.func @_agg_kernel(%arg0: i32, %arg1: i32, %arg2: memref<10000x128xf32, #tpu.memory_space<hbm>>, %arg3: memref<10000x128xf32, #tpu.memory_space<hbm>>, %arg4: memref<16x79x128xi32, #tpu.memory_space<hbm>>, %arg5: memref<16x79x128xi32, #tpu.memory_space<hbm>>, %arg6: memref<640x128xf32, #tpu.memory_space<hbm>>, %arg7: memref<2x10240x128xf32, #tpu.memory_space<hbm>>, %arg8: memref<2x128xi32, #tpu.memory_space<vmem>>, %arg9: memref<79x128xi32, #tpu.memory_space<vmem>>, %arg10: memref<2x128x128xf32, #tpu.memory_space<vmem>>, %arg11: memref<10240x128xf32, #tpu.memory_space<vmem_shared>>, %arg12: memref<!tpu.dma_semaphore, #tpu.memory_space<semaphore_mem>>, %arg13: memref<!tpu.dma_semaphore, #tpu.memory_space<semaphore_mem>>) attributes {dimension_semantics = [#tpu.dimension_semantics<core_parallel>, #tpu.dimension_semantics<subcore_parallel>], iteration_bounds = array<i64: 2, 16>, scalar_prefetch = 0 : i64, scratch_operands = 6 : i64, tpu.core_type = #tpu.core_type<sc_vector_subcore>, window_params = [{transform_indices = #map}, {transform_indices = #map}, {transform_indices = #map1}, {transform_indices = #map1}, {transform_indices = #map}, {transform_indices = #map1}]} {
    "tpu.region"() ({
      %run_scoped3A = tpu.sem_alloc : memref<!tpu.dma_semaphore, #tpu.memory_space<semaphore_mem>>
      %dma_start3A = arith.constant 0 : i32
      %dma_start3A_13 = arith.constant 0 : i32
      %dma_start3A_14 = tpu.memref_slice %arg5[%arg1, %dma_start3A, %dma_start3A_13] : memref<16x79x128xi32, #tpu.memory_space<hbm>> -> memref<1x79x128xi32, #tpu.memory_space<hbm>>
      %dma_start3A_15 = tpu.memref_squeeze %dma_start3A_14 : memref<1x79x128xi32, #tpu.memory_space<hbm>> -> memref<79x128xi32, #tpu.memory_space<hbm>>
      %dma_start3A_16 = arith.constant 0 : i32
      %dma_start3A_17 = arith.constant 0 : i32
      %dma_start3A_18 = tpu.memref_slice %arg5[%arg1, %dma_start3A_16, %dma_start3A_17] : memref<16x79x128xi32, #tpu.memory_space<hbm>> -> memref<1x79x128xi32, #tpu.memory_space<hbm>>
      %dma_start3A_19 = tpu.memref_squeeze %dma_start3A_18 : memref<1x79x128xi32, #tpu.memory_space<hbm>> -> memref<79x128xi32, #tpu.memory_space<hbm>>
      tpu.enqueue_dma source(%dma_start3A_19 : memref<79x128xi32, #tpu.memory_space<hbm>>) target(%arg9 : memref<79x128xi32, #tpu.memory_space<vmem>>) target_semaphore(%run_scoped3A : memref<!tpu.dma_semaphore, #tpu.memory_space<semaphore_mem>>)
      %dma_wait3A = arith.constant 0 : i32
      %dma_wait3A_20 = arith.constant 0 : i32
      %dma_wait3A_21 = tpu.memref_slice %arg5[%arg1, %dma_wait3A, %dma_wait3A_20] : memref<16x79x128xi32, #tpu.memory_space<hbm>> -> memref<1x79x128xi32, #tpu.memory_space<hbm>>
      %dma_wait3A_22 = tpu.memref_squeeze %dma_wait3A_21 : memref<1x79x128xi32, #tpu.memory_space<hbm>> -> memref<79x128xi32, #tpu.memory_space<hbm>>
      %dma_wait3A_23 = arith.constant 0 : i32
      %dma_wait3A_24 = arith.constant 0 : i32
      %dma_wait3A_25 = tpu.memref_slice %arg5[%arg1, %dma_wait3A_23, %dma_wait3A_24] : memref<16x79x128xi32, #tpu.memory_space<hbm>> -> memref<1x79x128xi32, #tpu.memory_space<hbm>>
      %dma_wait3A_26 = tpu.memref_squeeze %dma_wait3A_25 : memref<1x79x128xi32, #tpu.memory_space<hbm>> -> memref<79x128xi32, #tpu.memory_space<hbm>>
      tpu.wait_dma2 semaphore(%run_scoped3A : memref<!tpu.dma_semaphore, #tpu.memory_space<semaphore_mem>>) src(%dma_wait3A_26 : memref<79x128xi32, #tpu.memory_space<hbm>>) dst(%arg9 : memref<79x128xi32, #tpu.memory_space<vmem>>)
      tpu.yield
    }) : () -> ()
    %mul3A = arith.constant 640 : i32
    %mul3A_0 = arith.muli %arg1, %mul3A : i32
    "tpu.region"() ({
      %run_scoped3A = tpu.sem_alloc : memref<!tpu.dma_semaphore, #tpu.memory_space<semaphore_mem>>
      %dma_start3A = arith.constant 0 : i32
      %dma_start3A_13 = tpu.memref_slice %arg11[%mul3A_0, %dma_start3A] : memref<10240x128xf32, #tpu.memory_space<vmem_shared>> -> memref<640x128xf32, #tpu.memory_space<vmem_shared>>
      tpu.enqueue_dma source(%arg6 : memref<640x128xf32, #tpu.memory_space<hbm>>) target(%dma_start3A_13 : memref<640x128xf32, #tpu.memory_space<vmem_shared>>) target_semaphore(%run_scoped3A : memref<!tpu.dma_semaphore, #tpu.memory_space<semaphore_mem>>)
      %dma_wait3A = arith.constant 0 : i32
      %dma_wait3A_14 = tpu.memref_slice %arg11[%mul3A_0, %dma_wait3A] : memref<10240x128xf32, #tpu.memory_space<vmem_shared>> -> memref<640x128xf32, #tpu.memory_space<vmem_shared>>
      tpu.wait_dma2 semaphore(%run_scoped3A : memref<!tpu.dma_semaphore, #tpu.memory_space<semaphore_mem>>) src(%arg6 : memref<640x128xf32, #tpu.memory_space<hbm>>) dst(%dma_wait3A_14 : memref<640x128xf32, #tpu.memory_space<vmem_shared>>)
      tpu.yield
    }) : () -> ()
    %barrier3A = arith.constant 0 : index
    tpu.barrier barrier_id(%barrier3A)
    %eq3A = arith.constant 0 : i32
    %eq3A_1 = arith.cmpi eq, %arg0, %eq3A : i32
    %convert_element_type3A = arith.extui %eq3A_1 : i1 to i32
    %cond3A = arith.constant 0 : i32
    %cond3A_2 = arith.cmpi ne, %convert_element_type3A, %cond3A : i32
    scf.if %cond3A_2 {
      %run_scoped3A = arith.constant 0 : i32
      %run_scoped3A_13 = arith.constant 0 : i32
      "tpu.region"() ({
        %run_scoped3A_44 = tpu.sem_alloc : memref<!tpu.dma_semaphore, #tpu.memory_space<semaphore_mem>>
        %dma_start3A_45 = arith.constant 0 : i32
        %dma_start3A_46 = tpu.memref_slice %arg8[%run_scoped3A_13, %dma_start3A_45] : memref<2x128xi32, #tpu.memory_space<vmem>> -> memref<1x128xi32, #tpu.memory_space<vmem>>
        %dma_start3A_47 = tpu.memref_squeeze %dma_start3A_46 : memref<1x128xi32, #tpu.memory_space<vmem>> -> memref<128xi32, #tpu.memory_space<vmem>>
        %dma_start3A_48 = arith.constant 0 : i32
        %dma_start3A_49 = tpu.memref_slice %arg4[%arg1, %run_scoped3A, %dma_start3A_48] : memref<16x79x128xi32, #tpu.memory_space<hbm>> -> memref<1x1x128xi32, #tpu.memory_space<hbm>>
        %dma_start3A_50 = tpu.memref_squeeze %dma_start3A_49 : memref<1x1x128xi32, #tpu.memory_space<hbm>> -> memref<128xi32, #tpu.memory_space<hbm>>
        %dma_start3A_51 = arith.constant 0 : i32
        %dma_start3A_52 = tpu.memref_slice %arg8[%run_scoped3A_13, %dma_start3A_51] : memref<2x128xi32, #tpu.memory_space<vmem>> -> memref<1x128xi32, #tpu.memory_space<vmem>>
        %dma_start3A_53 = tpu.memref_squeeze %dma_start3A_52 : memref<1x128xi32, #tpu.memory_space<vmem>> -> memref<128xi32, #tpu.memory_space<vmem>>
        %dma_start3A_54 = arith.constant 0 : i32
        %dma_start3A_55 = tpu.memref_slice %arg4[%arg1, %run_scoped3A, %dma_start3A_54] : memref<16x79x128xi32, #tpu.memory_space<hbm>> -> memref<1x1x128xi32, #tpu.memory_space<hbm>>
        %dma_start3A_56 = tpu.memref_squeeze %dma_start3A_55 : memref<1x1x128xi32, #tpu.memory_space<hbm>> -> memref<128xi32, #tpu.memory_space<hbm>>
        tpu.enqueue_dma source(%dma_start3A_56 : memref<128xi32, #tpu.memory_space<hbm>>) target(%dma_start3A_53 : memref<128xi32, #tpu.memory_space<vmem>>) target_semaphore(%run_scoped3A_44 : memref<!tpu.dma_semaphore, #tpu.memory_space<semaphore_mem>>)
        %dma_wait3A = arith.constant 0 : i32
        %dma_wait3A_57 = tpu.memref_slice %arg8[%run_scoped3A_13, %dma_wait3A] : memref<2x128xi32, #tpu.memory_space<vmem>> -> memref<1x128xi32, #tpu.memory_space<vmem>>
        %dma_wait3A_58 = tpu.memref_squeeze %dma_wait3A_57 : memref<1x128xi32, #tpu.memory_space<vmem>> -> memref<128xi32, #tpu.memory_space<vmem>>
        %dma_wait3A_59 = arith.constant 0 : i32
        %dma_wait3A_60 = tpu.memref_slice %arg4[%arg1, %run_scoped3A, %dma_wait3A_59] : memref<16x79x128xi32, #tpu.memory_space<hbm>> -> memref<1x1x128xi32, #tpu.memory_space<hbm>>
        %dma_wait3A_61 = tpu.memref_squeeze %dma_wait3A_60 : memref<1x1x128xi32, #tpu.memory_space<hbm>> -> memref<128xi32, #tpu.memory_space<hbm>>
        %dma_wait3A_62 = arith.constant 0 : i32
        %dma_wait3A_63 = tpu.memref_slice %arg8[%run_scoped3A_13, %dma_wait3A_62] : memref<2x128xi32, #tpu.memory_space<vmem>> -> memref<1x128xi32, #tpu.memory_space<vmem>>
        %dma_wait3A_64 = tpu.memref_squeeze %dma_wait3A_63 : memref<1x128xi32, #tpu.memory_space<vmem>> -> memref<128xi32, #tpu.memory_space<vmem>>
        %dma_wait3A_65 = arith.constant 0 : i32
        %dma_wait3A_66 = tpu.memref_slice %arg4[%arg1, %run_scoped3A, %dma_wait3A_65] : memref<16x79x128xi32, #tpu.memory_space<hbm>> -> memref<1x1x128xi32, #tpu.memory_space<hbm>>
        %dma_wait3A_67 = tpu.memref_squeeze %dma_wait3A_66 : memref<1x1x128xi32, #tpu.memory_space<hbm>> -> memref<128xi32, #tpu.memory_space<hbm>>
        tpu.wait_dma2 semaphore(%run_scoped3A_44 : memref<!tpu.dma_semaphore, #tpu.memory_space<semaphore_mem>>) src(%dma_wait3A_67 : memref<128xi32, #tpu.memory_space<hbm>>) dst(%dma_wait3A_64 : memref<128xi32, #tpu.memory_space<vmem>>)
        tpu.yield
      }) : () -> ()
      %dma_start3A = arith.constant 1 : i32
      %dma_start3A_14 = arith.constant 1 : i32
      %dma_start3A_15 = arith.constant 0 : i32
      %dma_start3A_16 = tpu.memref_slice %arg8[%dma_start3A_14, %dma_start3A_15] : memref<2x128xi32, #tpu.memory_space<vmem>> -> memref<1x128xi32, #tpu.memory_space<vmem>>
      %dma_start3A_17 = tpu.memref_squeeze %dma_start3A_16 : memref<1x128xi32, #tpu.memory_space<vmem>> -> memref<128xi32, #tpu.memory_space<vmem>>
      %dma_start3A_18 = arith.constant 0 : i32
      %dma_start3A_19 = tpu.memref_slice %arg4[%arg1, %dma_start3A, %dma_start3A_18] : memref<16x79x128xi32, #tpu.memory_space<hbm>> -> memref<1x1x128xi32, #tpu.memory_space<hbm>>
      %dma_start3A_20 = tpu.memref_squeeze %dma_start3A_19 : memref<1x1x128xi32, #tpu.memory_space<hbm>> -> memref<128xi32, #tpu.memory_space<hbm>>
      %dma_start3A_21 = arith.constant 0 : i32
      %dma_start3A_22 = tpu.memref_slice %arg8[%dma_start3A_14, %dma_start3A_21] : memref<2x128xi32, #tpu.memory_space<vmem>> -> memref<1x128xi32, #tpu.memory_space<vmem>>
      %dma_start3A_23 = tpu.memref_squeeze %dma_start3A_22 : memref<1x128xi32, #tpu.memory_space<vmem>> -> memref<128xi32, #tpu.memory_space<vmem>>
      %dma_start3A_24 = arith.constant 0 : i32
      %dma_start3A_25 = tpu.memref_slice %arg4[%arg1, %dma_start3A, %dma_start3A_24] : memref<16x79x128xi32, #tpu.memory_space<hbm>> -> memref<1x1x128xi32, #tpu.memory_space<hbm>>
      %dma_start3A_26 = tpu.memref_squeeze %dma_start3A_25 : memref<1x1x128xi32, #tpu.memory_space<hbm>> -> memref<128xi32, #tpu.memory_space<hbm>>
      tpu.enqueue_dma source(%dma_start3A_26 : memref<128xi32, #tpu.memory_space<hbm>>) target(%dma_start3A_23 : memref<128xi32, #tpu.memory_space<vmem>>) target_semaphore(%arg13 : memref<!tpu.dma_semaphore, #tpu.memory_space<semaphore_mem>>)
      %dma_start3A_27 = arith.constant 0 : i32
      %dma_start3A_28 = arith.constant 0 : i32
      %dma_start3A_29 = arith.constant 0 : i32
      %dma_start3A_30 = arith.constant 0 : i32
      %dma_start3A_31 = tpu.memref_slice %arg10[%dma_start3A_28, %dma_start3A_29, %dma_start3A_30] : memref<2x128x128xf32, #tpu.memory_space<vmem>> -> memref<1x128x128xf32, #tpu.memory_space<vmem>>
      %dma_start3A_32 = tpu.memref_squeeze %dma_start3A_31 : memref<1x128x128xf32, #tpu.memory_space<vmem>> -> memref<128x128xf32, #tpu.memory_space<vmem>>
      %dma_start3A_33 = arith.constant 0 : i32
      %dma_start3A_34 = tpu.memref_slice %arg8[%dma_start3A_27, %dma_start3A_33] : memref<2x128xi32, #tpu.memory_space<vmem>> -> memref<1x128xi32, #tpu.memory_space<vmem>>
      %dma_start3A_35 = tpu.memref_squeeze %dma_start3A_34 : memref<1x128xi32, #tpu.memory_space<vmem>> -> memref<128xi32, #tpu.memory_space<vmem>>
      %dma_start3A_36 = arith.constant 0 : i32
      %dma_start3A_37 = arith.constant 0 : i32
      %dma_start3A_38 = tpu.memref_slice %arg2[%dma_start3A_36, %dma_start3A_37] : memref<10000x128xf32, #tpu.memory_space<hbm>> -> memref<10000x128xf32, #tpu.memory_space<hbm>>
      tpu.enqueue_indirect_dma source(%dma_start3A_38 : memref<10000x128xf32, #tpu.memory_space<hbm>>) target(%dma_start3A_32 : memref<128x128xf32, #tpu.memory_space<vmem>>) offsets(%dma_start3A_35 : memref<128xi32, #tpu.memory_space<vmem>>) semaphore(%arg12 : memref<!tpu.dma_semaphore, #tpu.memory_space<semaphore_mem>>)
      %scan3A = arith.constant 0 : i32
      %scan3A_39 = arith.constant 0 : i32
      %scan3A_40 = arith.constant 79 : i32
      %scan3A_41 = arith.addi %scan3A_39, %scan3A_40 : i32
      %scan3A_42 = arith.constant 1 : i32
      scf.for %scan3A_44 = %scan3A_39 to %scan3A_41 step %scan3A_42  : i32 {
        %rem3A = arith.constant 2 : i32
        %rem3A_45 = arith.remsi %scan3A_44, %rem3A : i32
        %sub3A = arith.constant 1 : i32
        %sub3A_46 = arith.subi %sub3A, %rem3A_45 : i32
        %dma_wait3A = arith.constant 0 : i32
        %dma_wait3A_47 = arith.constant 0 : i32
        %dma_wait3A_48 = tpu.memref_slice %arg10[%rem3A_45, %dma_wait3A, %dma_wait3A_47] : memref<2x128x128xf32, #tpu.memory_space<vmem>> -> memref<1x128x128xf32, #tpu.memory_space<vmem>>
        %dma_wait3A_49 = tpu.memref_squeeze %dma_wait3A_48 : memref<1x128x128xf32, #tpu.memory_space<vmem>> -> memref<128x128xf32, #tpu.memory_space<vmem>>
        %dma_wait3A_50 = arith.constant 0 : i32
        %dma_wait3A_51 = tpu.memref_slice %arg8[%rem3A_45, %dma_wait3A_50] : memref<2x128xi32, #tpu.memory_space<vmem>> -> memref<1x128xi32, #tpu.memory_space<vmem>>
        %dma_wait3A_52 = tpu.memref_squeeze %dma_wait3A_51 : memref<1x128xi32, #tpu.memory_space<vmem>> -> memref<128xi32, #tpu.memory_space<vmem>>
        %dma_wait3A_53 = arith.constant 0 : i32
        %dma_wait3A_54 = arith.constant 0 : i32
        %dma_wait3A_55 = tpu.memref_slice %arg2[%dma_wait3A_53, %dma_wait3A_54] : memref<10000x128xf32, #tpu.memory_space<hbm>> -> memref<10000x128xf32, #tpu.memory_space<hbm>>
        tpu.wait_indirect_dma semaphore(%arg12 : memref<!tpu.dma_semaphore, #tpu.memory_space<semaphore_mem>>) src(%dma_wait3A_55 : memref<10000x128xf32, #tpu.memory_space<hbm>>) dst(%dma_wait3A_49 : memref<128x128xf32, #tpu.memory_space<vmem>>)
        %lt3A = arith.constant 78 : i32
        %lt3A_56 = arith.cmpi slt, %scan3A_44, %lt3A : i32
        %convert_element_type3A_57 = arith.extui %lt3A_56 : i1 to i32
        %cond3A_58 = arith.constant 0 : i32
        %cond3A_59 = arith.cmpi ne, %convert_element_type3A_57, %cond3A_58 : i32
        scf.if %cond3A_59 {
          %add3A = arith.constant 1 : i32
          %add3A_65 = arith.addi %scan3A_44, %add3A : i32
          %dma_wait3A_66 = arith.constant 0 : i32
          %dma_wait3A_67 = tpu.memref_slice %arg8[%sub3A_46, %dma_wait3A_66] : memref<2x128xi32, #tpu.memory_space<vmem>> -> memref<1x128xi32, #tpu.memory_space<vmem>>
          %dma_wait3A_68 = tpu.memref_squeeze %dma_wait3A_67 : memref<1x128xi32, #tpu.memory_space<vmem>> -> memref<128xi32, #tpu.memory_space<vmem>>
          %dma_wait3A_69 = arith.constant 0 : i32
          %dma_wait3A_70 = tpu.memref_slice %arg4[%arg1, %add3A_65, %dma_wait3A_69] : memref<16x79x128xi32, #tpu.memory_space<hbm>> -> memref<1x1x128xi32, #tpu.memory_space<hbm>>
          %dma_wait3A_71 = tpu.memref_squeeze %dma_wait3A_70 : memref<1x1x128xi32, #tpu.memory_space<hbm>> -> memref<128xi32, #tpu.memory_space<hbm>>
          %dma_wait3A_72 = arith.constant 0 : i32
          %dma_wait3A_73 = tpu.memref_slice %arg8[%sub3A_46, %dma_wait3A_72] : memref<2x128xi32, #tpu.memory_space<vmem>> -> memref<1x128xi32, #tpu.memory_space<vmem>>
          %dma_wait3A_74 = tpu.memref_squeeze %dma_wait3A_73 : memref<1x128xi32, #tpu.memory_space<vmem>> -> memref<128xi32, #tpu.memory_space<vmem>>
          %dma_wait3A_75 = arith.constant 0 : i32
          %dma_wait3A_76 = tpu.memref_slice %arg4[%arg1, %add3A_65, %dma_wait3A_75] : memref<16x79x128xi32, #tpu.memory_space<hbm>> -> memref<1x1x128xi32, #tpu.memory_space<hbm>>
          %dma_wait3A_77 = tpu.memref_squeeze %dma_wait3A_76 : memref<1x1x128xi32, #tpu.memory_space<hbm>> -> memref<128xi32, #tpu.memory_space<hbm>>
          tpu.wait_dma2 semaphore(%arg13 : memref<!tpu.dma_semaphore, #tpu.memory_space<semaphore_mem>>) src(%dma_wait3A_77 : memref<128xi32, #tpu.memory_space<hbm>>) dst(%dma_wait3A_74 : memref<128xi32, #tpu.memory_space<vmem>>)
          %dma_start3A_78 = arith.constant 0 : i32
          %dma_start3A_79 = arith.constant 0 : i32
          %dma_start3A_80 = tpu.memref_slice %arg10[%sub3A_46, %dma_start3A_78, %dma_start3A_79] : memref<2x128x128xf32, #tpu.memory_space<vmem>> -> memref<1x128x128xf32, #tpu.memory_space<vmem>>
          %dma_start3A_81 = tpu.memref_squeeze %dma_start3A_80 : memref<1x128x128xf32, #tpu.memory_space<vmem>> -> memref<128x128xf32, #tpu.memory_space<vmem>>
          %dma_start3A_82 = arith.constant 0 : i32
          %dma_start3A_83 = tpu.memref_slice %arg8[%sub3A_46, %dma_start3A_82] : memref<2x128xi32, #tpu.memory_space<vmem>> -> memref<1x128xi32, #tpu.memory_space<vmem>>
          %dma_start3A_84 = tpu.memref_squeeze %dma_start3A_83 : memref<1x128xi32, #tpu.memory_space<vmem>> -> memref<128xi32, #tpu.memory_space<vmem>>
          %dma_start3A_85 = arith.constant 0 : i32
          %dma_start3A_86 = arith.constant 0 : i32
          %dma_start3A_87 = tpu.memref_slice %arg2[%dma_start3A_85, %dma_start3A_86] : memref<10000x128xf32, #tpu.memory_space<hbm>> -> memref<10000x128xf32, #tpu.memory_space<hbm>>
          tpu.enqueue_indirect_dma source(%dma_start3A_87 : memref<10000x128xf32, #tpu.memory_space<hbm>>) target(%dma_start3A_81 : memref<128x128xf32, #tpu.memory_space<vmem>>) offsets(%dma_start3A_84 : memref<128xi32, #tpu.memory_space<vmem>>) semaphore(%arg12 : memref<!tpu.dma_semaphore, #tpu.memory_space<semaphore_mem>>)
        } else {
        }
        %lt3A_60 = arith.constant 77 : i32
        %lt3A_61 = arith.cmpi slt, %scan3A_44, %lt3A_60 : i32
        %convert_element_type3A_62 = arith.extui %lt3A_61 : i1 to i32
        %cond3A_63 = arith.constant 0 : i32
        %cond3A_64 = arith.cmpi ne, %convert_element_type3A_62, %cond3A_63 : i32
        scf.if %cond3A_64 {
          %add3A = arith.constant 2 : i32
          %add3A_65 = arith.addi %scan3A_44, %add3A : i32
          %dma_start3A_66 = arith.constant 0 : i32
          %dma_start3A_67 = tpu.memref_slice %arg8[%rem3A_45, %dma_start3A_66] : memref<2x128xi32, #tpu.memory_space<vmem>> -> memref<1x128xi32, #tpu.memory_space<vmem>>
          %dma_start3A_68 = tpu.memref_squeeze %dma_start3A_67 : memref<1x128xi32, #tpu.memory_space<vmem>> -> memref<128xi32, #tpu.memory_space<vmem>>
          %dma_start3A_69 = arith.constant 0 : i32
          %dma_start3A_70 = tpu.memref_slice %arg4[%arg1, %add3A_65, %dma_start3A_69] : memref<16x79x128xi32, #tpu.memory_space<hbm>> -> memref<1x1x128xi32, #tpu.memory_space<hbm>>
          %dma_start3A_71 = tpu.memref_squeeze %dma_start3A_70 : memref<1x1x128xi32, #tpu.memory_space<hbm>> -> memref<128xi32, #tpu.memory_space<hbm>>
          %dma_start3A_72 = arith.constant 0 : i32
          %dma_start3A_73 = tpu.memref_slice %arg8[%rem3A_45, %dma_start3A_72] : memref<2x128xi32, #tpu.memory_space<vmem>> -> memref<1x128xi32, #tpu.memory_space<vmem>>
          %dma_start3A_74 = tpu.memref_squeeze %dma_start3A_73 : memref<1x128xi32, #tpu.memory_space<vmem>> -> memref<128xi32, #tpu.memory_space<vmem>>
          %dma_start3A_75 = arith.constant 0 : i32
          %dma_start3A_76 = tpu.memref_slice %arg4[%arg1, %add3A_65, %dma_start3A_75] : memref<16x79x128xi32, #tpu.memory_space<hbm>> -> memref<1x1x128xi32, #tpu.memory_space<hbm>>
          %dma_start3A_77 = tpu.memref_squeeze %dma_start3A_76 : memref<1x1x128xi32, #tpu.memory_space<hbm>> -> memref<128xi32, #tpu.memory_space<hbm>>
          tpu.enqueue_dma source(%dma_start3A_77 : memref<128xi32, #tpu.memory_space<hbm>>) target(%dma_start3A_74 : memref<128xi32, #tpu.memory_space<vmem>>) target_semaphore(%arg13 : memref<!tpu.dma_semaphore, #tpu.memory_space<semaphore_mem>>)
        } else {
        }
        "tpu.region"() ({
          %run_scoped3A_65 = tpu.sem_alloc : memref<!tpu.dma_semaphore, #tpu.memory_space<semaphore_mem>>
          %dma_start3A_66 = arith.constant 0 : i32
          %dma_start3A_67 = arith.constant 0 : i32
          %dma_start3A_68 = tpu.memref_slice %arg10[%rem3A_45, %dma_start3A_66, %dma_start3A_67] : memref<2x128x128xf32, #tpu.memory_space<vmem>> -> memref<1x128x128xf32, #tpu.memory_space<vmem>>
          %dma_start3A_69 = tpu.memref_squeeze %dma_start3A_68 : memref<1x128x128xf32, #tpu.memory_space<vmem>> -> memref<128x128xf32, #tpu.memory_space<vmem>>
          %dma_start3A_70 = arith.constant 0 : i32
          %dma_start3A_71 = tpu.memref_slice %arg9[%scan3A_44, %dma_start3A_70] : memref<79x128xi32, #tpu.memory_space<vmem>> -> memref<1x128xi32, #tpu.memory_space<vmem>>
          %dma_start3A_72 = tpu.memref_squeeze %dma_start3A_71 : memref<1x128xi32, #tpu.memory_space<vmem>> -> memref<128xi32, #tpu.memory_space<vmem>>
          %dma_start3A_73 = arith.constant 0 : i32
          %dma_start3A_74 = arith.constant 0 : i32
          %dma_start3A_75 = tpu.memref_slice %arg11[%dma_start3A_73, %dma_start3A_74] : memref<10240x128xf32, #tpu.memory_space<vmem_shared>> -> memref<10240x128xf32, #tpu.memory_space<vmem_shared>>
          tpu.enqueue_indirect_dma source(%dma_start3A_69 : memref<128x128xf32, #tpu.memory_space<vmem>>) target(%dma_start3A_75 : memref<10240x128xf32, #tpu.memory_space<vmem_shared>>) offsets(%dma_start3A_72 : memref<128xi32, #tpu.memory_space<vmem>>) semaphore(%run_scoped3A_65 : memref<!tpu.dma_semaphore, #tpu.memory_space<semaphore_mem>>) {add = true}
          %dma_wait3A_76 = arith.constant 0 : i32
          %dma_wait3A_77 = arith.constant 0 : i32
          %dma_wait3A_78 = tpu.memref_slice %arg10[%rem3A_45, %dma_wait3A_76, %dma_wait3A_77] : memref<2x128x128xf32, #tpu.memory_space<vmem>> -> memref<1x128x128xf32, #tpu.memory_space<vmem>>
          %dma_wait3A_79 = tpu.memref_squeeze %dma_wait3A_78 : memref<1x128x128xf32, #tpu.memory_space<vmem>> -> memref<128x128xf32, #tpu.memory_space<vmem>>
          %dma_wait3A_80 = arith.constant 0 : i32
          %dma_wait3A_81 = tpu.memref_slice %arg9[%scan3A_44, %dma_wait3A_80] : memref<79x128xi32, #tpu.memory_space<vmem>> -> memref<1x128xi32, #tpu.memory_space<vmem>>
          %dma_wait3A_82 = tpu.memref_squeeze %dma_wait3A_81 : memref<1x128xi32, #tpu.memory_space<vmem>> -> memref<128xi32, #tpu.memory_space<vmem>>
          %dma_wait3A_83 = arith.constant 0 : i32
          %dma_wait3A_84 = arith.constant 0 : i32
          %dma_wait3A_85 = tpu.memref_slice %arg11[%dma_wait3A_83, %dma_wait3A_84] : memref<10240x128xf32, #tpu.memory_space<vmem_shared>> -> memref<10240x128xf32, #tpu.memory_space<vmem_shared>>
          tpu.wait_indirect_dma semaphore(%run_scoped3A_65 : memref<!tpu.dma_semaphore, #tpu.memory_space<semaphore_mem>>) src(%dma_wait3A_79 : memref<128x128xf32, #tpu.memory_space<vmem>>) dst(%dma_wait3A_85 : memref<10240x128xf32, #tpu.memory_space<vmem_shared>>)
          tpu.yield
        }) : () -> ()
      }
      %scan3A_43 = arith.constant 79 : i32
    } else {
    }
    %eq3A_3 = arith.constant 1 : i32
    %eq3A_4 = arith.cmpi eq, %arg0, %eq3A_3 : i32
    %convert_element_type3A_5 = arith.extui %eq3A_4 : i1 to i32
    %cond3A_6 = arith.constant 0 : i32
    %cond3A_7 = arith.cmpi ne, %convert_element_type3A_5, %cond3A_6 : i32
    scf.if %cond3A_7 {
      %run_scoped3A = arith.constant 0 : i32
      %run_scoped3A_13 = arith.constant 0 : i32
      "tpu.region"() ({
        %run_scoped3A_44 = tpu.sem_alloc : memref<!tpu.dma_semaphore, #tpu.memory_space<semaphore_mem>>
        %dma_start3A_45 = arith.constant 0 : i32
        %dma_start3A_46 = tpu.memref_slice %arg8[%run_scoped3A_13, %dma_start3A_45] : memref<2x128xi32, #tpu.memory_space<vmem>> -> memref<1x128xi32, #tpu.memory_space<vmem>>
        %dma_start3A_47 = tpu.memref_squeeze %dma_start3A_46 : memref<1x128xi32, #tpu.memory_space<vmem>> -> memref<128xi32, #tpu.memory_space<vmem>>
        %dma_start3A_48 = arith.constant 0 : i32
        %dma_start3A_49 = tpu.memref_slice %arg4[%arg1, %run_scoped3A, %dma_start3A_48] : memref<16x79x128xi32, #tpu.memory_space<hbm>> -> memref<1x1x128xi32, #tpu.memory_space<hbm>>
        %dma_start3A_50 = tpu.memref_squeeze %dma_start3A_49 : memref<1x1x128xi32, #tpu.memory_space<hbm>> -> memref<128xi32, #tpu.memory_space<hbm>>
        %dma_start3A_51 = arith.constant 0 : i32
        %dma_start3A_52 = tpu.memref_slice %arg8[%run_scoped3A_13, %dma_start3A_51] : memref<2x128xi32, #tpu.memory_space<vmem>> -> memref<1x128xi32, #tpu.memory_space<vmem>>
        %dma_start3A_53 = tpu.memref_squeeze %dma_start3A_52 : memref<1x128xi32, #tpu.memory_space<vmem>> -> memref<128xi32, #tpu.memory_space<vmem>>
        %dma_start3A_54 = arith.constant 0 : i32
        %dma_start3A_55 = tpu.memref_slice %arg4[%arg1, %run_scoped3A, %dma_start3A_54] : memref<16x79x128xi32, #tpu.memory_space<hbm>> -> memref<1x1x128xi32, #tpu.memory_space<hbm>>
        %dma_start3A_56 = tpu.memref_squeeze %dma_start3A_55 : memref<1x1x128xi32, #tpu.memory_space<hbm>> -> memref<128xi32, #tpu.memory_space<hbm>>
        tpu.enqueue_dma source(%dma_start3A_56 : memref<128xi32, #tpu.memory_space<hbm>>) target(%dma_start3A_53 : memref<128xi32, #tpu.memory_space<vmem>>) target_semaphore(%run_scoped3A_44 : memref<!tpu.dma_semaphore, #tpu.memory_space<semaphore_mem>>)
        %dma_wait3A = arith.constant 0 : i32
        %dma_wait3A_57 = tpu.memref_slice %arg8[%run_scoped3A_13, %dma_wait3A] : memref<2x128xi32, #tpu.memory_space<vmem>> -> memref<1x128xi32, #tpu.memory_space<vmem>>
        %dma_wait3A_58 = tpu.memref_squeeze %dma_wait3A_57 : memref<1x128xi32, #tpu.memory_space<vmem>> -> memref<128xi32, #tpu.memory_space<vmem>>
        %dma_wait3A_59 = arith.constant 0 : i32
        %dma_wait3A_60 = tpu.memref_slice %arg4[%arg1, %run_scoped3A, %dma_wait3A_59] : memref<16x79x128xi32, #tpu.memory_space<hbm>> -> memref<1x1x128xi32, #tpu.memory_space<hbm>>
        %dma_wait3A_61 = tpu.memref_squeeze %dma_wait3A_60 : memref<1x1x128xi32, #tpu.memory_space<hbm>> -> memref<128xi32, #tpu.memory_space<hbm>>
        %dma_wait3A_62 = arith.constant 0 : i32
        %dma_wait3A_63 = tpu.memref_slice %arg8[%run_scoped3A_13, %dma_wait3A_62] : memref<2x128xi32, #tpu.memory_space<vmem>> -> memref<1x128xi32, #tpu.memory_space<vmem>>
        %dma_wait3A_64 = tpu.memref_squeeze %dma_wait3A_63 : memref<1x128xi32, #tpu.memory_space<vmem>> -> memref<128xi32, #tpu.memory_space<vmem>>
        %dma_wait3A_65 = arith.constant 0 : i32
        %dma_wait3A_66 = tpu.memref_slice %arg4[%arg1, %run_scoped3A, %dma_wait3A_65] : memref<16x79x128xi32, #tpu.memory_space<hbm>> -> memref<1x1x128xi32, #tpu.memory_space<hbm>>
        %dma_wait3A_67 = tpu.memref_squeeze %dma_wait3A_66 : memref<1x1x128xi32, #tpu.memory_space<hbm>> -> memref<128xi32, #tpu.memory_space<hbm>>
        tpu.wait_dma2 semaphore(%run_scoped3A_44 : memref<!tpu.dma_semaphore, #tpu.memory_space<semaphore_mem>>) src(%dma_wait3A_67 : memref<128xi32, #tpu.memory_space<hbm>>) dst(%dma_wait3A_64 : memref<128xi32, #tpu.memory_space<vmem>>)
        tpu.yield
      }) : () -> ()
      %dma_start3A = arith.constant 1 : i32
      %dma_start3A_14 = arith.constant 1 : i32
      %dma_start3A_15 = arith.constant 0 : i32
      %dma_start3A_16 = tpu.memref_slice %arg8[%dma_start3A_14, %dma_start3A_15] : memref<2x128xi32, #tpu.memory_space<vmem>> -> memref<1x128xi32, #tpu.memory_space<vmem>>
      %dma_start3A_17 = tpu.memref_squeeze %dma_start3A_16 : memref<1x128xi32, #tpu.memory_space<vmem>> -> memref<128xi32, #tpu.memory_space<vmem>>
      %dma_start3A_18 = arith.constant 0 : i32
      %dma_start3A_19 = tpu.memref_slice %arg4[%arg1, %dma_start3A, %dma_start3A_18] : memref<16x79x128xi32, #tpu.memory_space<hbm>> -> memref<1x1x128xi32, #tpu.memory_space<hbm>>
      %dma_start3A_20 = tpu.memref_squeeze %dma_start3A_19 : memref<1x1x128xi32, #tpu.memory_space<hbm>> -> memref<128xi32, #tpu.memory_space<hbm>>
      %dma_start3A_21 = arith.constant 0 : i32
      %dma_start3A_22 = tpu.memref_slice %arg8[%dma_start3A_14, %dma_start3A_21] : memref<2x128xi32, #tpu.memory_space<vmem>> -> memref<1x128xi32, #tpu.memory_space<vmem>>
      %dma_start3A_23 = tpu.memref_squeeze %dma_start3A_22 : memref<1x128xi32, #tpu.memory_space<vmem>> -> memref<128xi32, #tpu.memory_space<vmem>>
      %dma_start3A_24 = arith.constant 0 : i32
      %dma_start3A_25 = tpu.memref_slice %arg4[%arg1, %dma_start3A, %dma_start3A_24] : memref<16x79x128xi32, #tpu.memory_space<hbm>> -> memref<1x1x128xi32, #tpu.memory_space<hbm>>
      %dma_start3A_26 = tpu.memref_squeeze %dma_start3A_25 : memref<1x1x128xi32, #tpu.memory_space<hbm>> -> memref<128xi32, #tpu.memory_space<hbm>>
      tpu.enqueue_dma source(%dma_start3A_26 : memref<128xi32, #tpu.memory_space<hbm>>) target(%dma_start3A_23 : memref<128xi32, #tpu.memory_space<vmem>>) target_semaphore(%arg13 : memref<!tpu.dma_semaphore, #tpu.memory_space<semaphore_mem>>)
      %dma_start3A_27 = arith.constant 0 : i32
      %dma_start3A_28 = arith.constant 0 : i32
      %dma_start3A_29 = arith.constant 0 : i32
      %dma_start3A_30 = arith.constant 0 : i32
      %dma_start3A_31 = tpu.memref_slice %arg10[%dma_start3A_28, %dma_start3A_29, %dma_start3A_30] : memref<2x128x128xf32, #tpu.memory_space<vmem>> -> memref<1x128x128xf32, #tpu.memory_space<vmem>>
      %dma_start3A_32 = tpu.memref_squeeze %dma_start3A_31 : memref<1x128x128xf32, #tpu.memory_space<vmem>> -> memref<128x128xf32, #tpu.memory_space<vmem>>
      %dma_start3A_33 = arith.constant 0 : i32
      %dma_start3A_34 = tpu.memref_slice %arg8[%dma_start3A_27, %dma_start3A_33] : memref<2x128xi32, #tpu.memory_space<vmem>> -> memref<1x128xi32, #tpu.memory_space<vmem>>
      %dma_start3A_35 = tpu.memref_squeeze %dma_start3A_34 : memref<1x128xi32, #tpu.memory_space<vmem>> -> memref<128xi32, #tpu.memory_space<vmem>>
      %dma_start3A_36 = arith.constant 0 : i32
      %dma_start3A_37 = arith.constant 0 : i32
      %dma_start3A_38 = tpu.memref_slice %arg3[%dma_start3A_36, %dma_start3A_37] : memref<10000x128xf32, #tpu.memory_space<hbm>> -> memref<10000x128xf32, #tpu.memory_space<hbm>>
      tpu.enqueue_indirect_dma source(%dma_start3A_38 : memref<10000x128xf32, #tpu.memory_space<hbm>>) target(%dma_start3A_32 : memref<128x128xf32, #tpu.memory_space<vmem>>) offsets(%dma_start3A_35 : memref<128xi32, #tpu.memory_space<vmem>>) semaphore(%arg12 : memref<!tpu.dma_semaphore, #tpu.memory_space<semaphore_mem>>)
      %scan3A = arith.constant 0 : i32
      %scan3A_39 = arith.constant 0 : i32
      %scan3A_40 = arith.constant 79 : i32
      %scan3A_41 = arith.addi %scan3A_39, %scan3A_40 : i32
      %scan3A_42 = arith.constant 1 : i32
      scf.for %scan3A_44 = %scan3A_39 to %scan3A_41 step %scan3A_42  : i32 {
        %rem3A = arith.constant 2 : i32
        %rem3A_45 = arith.remsi %scan3A_44, %rem3A : i32
        %sub3A = arith.constant 1 : i32
        %sub3A_46 = arith.subi %sub3A, %rem3A_45 : i32
        %dma_wait3A = arith.constant 0 : i32
        %dma_wait3A_47 = arith.constant 0 : i32
        %dma_wait3A_48 = tpu.memref_slice %arg10[%rem3A_45, %dma_wait3A, %dma_wait3A_47] : memref<2x128x128xf32, #tpu.memory_space<vmem>> -> memref<1x128x128xf32, #tpu.memory_space<vmem>>
        %dma_wait3A_49 = tpu.memref_squeeze %dma_wait3A_48 : memref<1x128x128xf32, #tpu.memory_space<vmem>> -> memref<128x128xf32, #tpu.memory_space<vmem>>
        %dma_wait3A_50 = arith.constant 0 : i32
        %dma_wait3A_51 = tpu.memref_slice %arg8[%rem3A_45, %dma_wait3A_50] : memref<2x128xi32, #tpu.memory_space<vmem>> -> memref<1x128xi32, #tpu.memory_space<vmem>>
        %dma_wait3A_52 = tpu.memref_squeeze %dma_wait3A_51 : memref<1x128xi32, #tpu.memory_space<vmem>> -> memref<128xi32, #tpu.memory_space<vmem>>
        %dma_wait3A_53 = arith.constant 0 : i32
        %dma_wait3A_54 = arith.constant 0 : i32
        %dma_wait3A_55 = tpu.memref_slice %arg3[%dma_wait3A_53, %dma_wait3A_54] : memref<10000x128xf32, #tpu.memory_space<hbm>> -> memref<10000x128xf32, #tpu.memory_space<hbm>>
        tpu.wait_indirect_dma semaphore(%arg12 : memref<!tpu.dma_semaphore, #tpu.memory_space<semaphore_mem>>) src(%dma_wait3A_55 : memref<10000x128xf32, #tpu.memory_space<hbm>>) dst(%dma_wait3A_49 : memref<128x128xf32, #tpu.memory_space<vmem>>)
        %lt3A = arith.constant 78 : i32
        %lt3A_56 = arith.cmpi slt, %scan3A_44, %lt3A : i32
        %convert_element_type3A_57 = arith.extui %lt3A_56 : i1 to i32
        %cond3A_58 = arith.constant 0 : i32
        %cond3A_59 = arith.cmpi ne, %convert_element_type3A_57, %cond3A_58 : i32
        scf.if %cond3A_59 {
          %add3A = arith.constant 1 : i32
          %add3A_65 = arith.addi %scan3A_44, %add3A : i32
          %dma_wait3A_66 = arith.constant 0 : i32
          %dma_wait3A_67 = tpu.memref_slice %arg8[%sub3A_46, %dma_wait3A_66] : memref<2x128xi32, #tpu.memory_space<vmem>> -> memref<1x128xi32, #tpu.memory_space<vmem>>
          %dma_wait3A_68 = tpu.memref_squeeze %dma_wait3A_67 : memref<1x128xi32, #tpu.memory_space<vmem>> -> memref<128xi32, #tpu.memory_space<vmem>>
          %dma_wait3A_69 = arith.constant 0 : i32
          %dma_wait3A_70 = tpu.memref_slice %arg4[%arg1, %add3A_65, %dma_wait3A_69] : memref<16x79x128xi32, #tpu.memory_space<hbm>> -> memref<1x1x128xi32, #tpu.memory_space<hbm>>
          %dma_wait3A_71 = tpu.memref_squeeze %dma_wait3A_70 : memref<1x1x128xi32, #tpu.memory_space<hbm>> -> memref<128xi32, #tpu.memory_space<hbm>>
          %dma_wait3A_72 = arith.constant 0 : i32
          %dma_wait3A_73 = tpu.memref_slice %arg8[%sub3A_46, %dma_wait3A_72] : memref<2x128xi32, #tpu.memory_space<vmem>> -> memref<1x128xi32, #tpu.memory_space<vmem>>
          %dma_wait3A_74 = tpu.memref_squeeze %dma_wait3A_73 : memref<1x128xi32, #tpu.memory_space<vmem>> -> memref<128xi32, #tpu.memory_space<vmem>>
          %dma_wait3A_75 = arith.constant 0 : i32
          %dma_wait3A_76 = tpu.memref_slice %arg4[%arg1, %add3A_65, %dma_wait3A_75] : memref<16x79x128xi32, #tpu.memory_space<hbm>> -> memref<1x1x128xi32, #tpu.memory_space<hbm>>
          %dma_wait3A_77 = tpu.memref_squeeze %dma_wait3A_76 : memref<1x1x128xi32, #tpu.memory_space<hbm>> -> memref<128xi32, #tpu.memory_space<hbm>>
          tpu.wait_dma2 semaphore(%arg13 : memref<!tpu.dma_semaphore, #tpu.memory_space<semaphore_mem>>) src(%dma_wait3A_77 : memref<128xi32, #tpu.memory_space<hbm>>) dst(%dma_wait3A_74 : memref<128xi32, #tpu.memory_space<vmem>>)
          %dma_start3A_78 = arith.constant 0 : i32
          %dma_start3A_79 = arith.constant 0 : i32
          %dma_start3A_80 = tpu.memref_slice %arg10[%sub3A_46, %dma_start3A_78, %dma_start3A_79] : memref<2x128x128xf32, #tpu.memory_space<vmem>> -> memref<1x128x128xf32, #tpu.memory_space<vmem>>
          %dma_start3A_81 = tpu.memref_squeeze %dma_start3A_80 : memref<1x128x128xf32, #tpu.memory_space<vmem>> -> memref<128x128xf32, #tpu.memory_space<vmem>>
          %dma_start3A_82 = arith.constant 0 : i32
          %dma_start3A_83 = tpu.memref_slice %arg8[%sub3A_46, %dma_start3A_82] : memref<2x128xi32, #tpu.memory_space<vmem>> -> memref<1x128xi32, #tpu.memory_space<vmem>>
          %dma_start3A_84 = tpu.memref_squeeze %dma_start3A_83 : memref<1x128xi32, #tpu.memory_space<vmem>> -> memref<128xi32, #tpu.memory_space<vmem>>
          %dma_start3A_85 = arith.constant 0 : i32
          %dma_start3A_86 = arith.constant 0 : i32
          %dma_start3A_87 = tpu.memref_slice %arg3[%dma_start3A_85, %dma_start3A_86] : memref<10000x128xf32, #tpu.memory_space<hbm>> -> memref<10000x128xf32, #tpu.memory_space<hbm>>
          tpu.enqueue_indirect_dma source(%dma_start3A_87 : memref<10000x128xf32, #tpu.memory_space<hbm>>) target(%dma_start3A_81 : memref<128x128xf32, #tpu.memory_space<vmem>>) offsets(%dma_start3A_84 : memref<128xi32, #tpu.memory_space<vmem>>) semaphore(%arg12 : memref<!tpu.dma_semaphore, #tpu.memory_space<semaphore_mem>>)
        } else {
        }
        %lt3A_60 = arith.constant 77 : i32
        %lt3A_61 = arith.cmpi slt, %scan3A_44, %lt3A_60 : i32
        %convert_element_type3A_62 = arith.extui %lt3A_61 : i1 to i32
        %cond3A_63 = arith.constant 0 : i32
        %cond3A_64 = arith.cmpi ne, %convert_element_type3A_62, %cond3A_63 : i32
        scf.if %cond3A_64 {
          %add3A = arith.constant 2 : i32
          %add3A_65 = arith.addi %scan3A_44, %add3A : i32
          %dma_start3A_66 = arith.constant 0 : i32
          %dma_start3A_67 = tpu.memref_slice %arg8[%rem3A_45, %dma_start3A_66] : memref<2x128xi32, #tpu.memory_space<vmem>> -> memref<1x128xi32, #tpu.memory_space<vmem>>
          %dma_start3A_68 = tpu.memref_squeeze %dma_start3A_67 : memref<1x128xi32, #tpu.memory_space<vmem>> -> memref<128xi32, #tpu.memory_space<vmem>>
          %dma_start3A_69 = arith.constant 0 : i32
          %dma_start3A_70 = tpu.memref_slice %arg4[%arg1, %add3A_65, %dma_start3A_69] : memref<16x79x128xi32, #tpu.memory_space<hbm>> -> memref<1x1x128xi32, #tpu.memory_space<hbm>>
          %dma_start3A_71 = tpu.memref_squeeze %dma_start3A_70 : memref<1x1x128xi32, #tpu.memory_space<hbm>> -> memref<128xi32, #tpu.memory_space<hbm>>
          %dma_start3A_72 = arith.constant 0 : i32
          %dma_start3A_73 = tpu.memref_slice %arg8[%rem3A_45, %dma_start3A_72] : memref<2x128xi32, #tpu.memory_space<vmem>> -> memref<1x128xi32, #tpu.memory_space<vmem>>
          %dma_start3A_74 = tpu.memref_squeeze %dma_start3A_73 : memref<1x128xi32, #tpu.memory_space<vmem>> -> memref<128xi32, #tpu.memory_space<vmem>>
          %dma_start3A_75 = arith.constant 0 : i32
          %dma_start3A_76 = tpu.memref_slice %arg4[%arg1, %add3A_65, %dma_start3A_75] : memref<16x79x128xi32, #tpu.memory_space<hbm>> -> memref<1x1x128xi32, #tpu.memory_space<hbm>>
          %dma_start3A_77 = tpu.memref_squeeze %dma_start3A_76 : memref<1x1x128xi32, #tpu.memory_space<hbm>> -> memref<128xi32, #tpu.memory_space<hbm>>
          tpu.enqueue_dma source(%dma_start3A_77 : memref<128xi32, #tpu.memory_space<hbm>>) target(%dma_start3A_74 : memref<128xi32, #tpu.memory_space<vmem>>) target_semaphore(%arg13 : memref<!tpu.dma_semaphore, #tpu.memory_space<semaphore_mem>>)
        } else {
        }
        "tpu.region"() ({
          %run_scoped3A_65 = tpu.sem_alloc : memref<!tpu.dma_semaphore, #tpu.memory_space<semaphore_mem>>
          %dma_start3A_66 = arith.constant 0 : i32
          %dma_start3A_67 = arith.constant 0 : i32
          %dma_start3A_68 = tpu.memref_slice %arg10[%rem3A_45, %dma_start3A_66, %dma_start3A_67] : memref<2x128x128xf32, #tpu.memory_space<vmem>> -> memref<1x128x128xf32, #tpu.memory_space<vmem>>
          %dma_start3A_69 = tpu.memref_squeeze %dma_start3A_68 : memref<1x128x128xf32, #tpu.memory_space<vmem>> -> memref<128x128xf32, #tpu.memory_space<vmem>>
          %dma_start3A_70 = arith.constant 0 : i32
          %dma_start3A_71 = tpu.memref_slice %arg9[%scan3A_44, %dma_start3A_70] : memref<79x128xi32, #tpu.memory_space<vmem>> -> memref<1x128xi32, #tpu.memory_space<vmem>>
          %dma_start3A_72 = tpu.memref_squeeze %dma_start3A_71 : memref<1x128xi32, #tpu.memory_space<vmem>> -> memref<128xi32, #tpu.memory_space<vmem>>
          %dma_start3A_73 = arith.constant 0 : i32
          %dma_start3A_74 = arith.constant 0 : i32
          %dma_start3A_75 = tpu.memref_slice %arg11[%dma_start3A_73, %dma_start3A_74] : memref<10240x128xf32, #tpu.memory_space<vmem_shared>> -> memref<10240x128xf32, #tpu.memory_space<vmem_shared>>
          tpu.enqueue_indirect_dma source(%dma_start3A_69 : memref<128x128xf32, #tpu.memory_space<vmem>>) target(%dma_start3A_75 : memref<10240x128xf32, #tpu.memory_space<vmem_shared>>) offsets(%dma_start3A_72 : memref<128xi32, #tpu.memory_space<vmem>>) semaphore(%run_scoped3A_65 : memref<!tpu.dma_semaphore, #tpu.memory_space<semaphore_mem>>) {add = true}
          %dma_wait3A_76 = arith.constant 0 : i32
          %dma_wait3A_77 = arith.constant 0 : i32
          %dma_wait3A_78 = tpu.memref_slice %arg10[%rem3A_45, %dma_wait3A_76, %dma_wait3A_77] : memref<2x128x128xf32, #tpu.memory_space<vmem>> -> memref<1x128x128xf32, #tpu.memory_space<vmem>>
          %dma_wait3A_79 = tpu.memref_squeeze %dma_wait3A_78 : memref<1x128x128xf32, #tpu.memory_space<vmem>> -> memref<128x128xf32, #tpu.memory_space<vmem>>
          %dma_wait3A_80 = arith.constant 0 : i32
          %dma_wait3A_81 = tpu.memref_slice %arg9[%scan3A_44, %dma_wait3A_80] : memref<79x128xi32, #tpu.memory_space<vmem>> -> memref<1x128xi32, #tpu.memory_space<vmem>>
          %dma_wait3A_82 = tpu.memref_squeeze %dma_wait3A_81 : memref<1x128xi32, #tpu.memory_space<vmem>> -> memref<128xi32, #tpu.memory_space<vmem>>
          %dma_wait3A_83 = arith.constant 0 : i32
          %dma_wait3A_84 = arith.constant 0 : i32
          %dma_wait3A_85 = tpu.memref_slice %arg11[%dma_wait3A_83, %dma_wait3A_84] : memref<10240x128xf32, #tpu.memory_space<vmem_shared>> -> memref<10240x128xf32, #tpu.memory_space<vmem_shared>>
          tpu.wait_indirect_dma semaphore(%run_scoped3A_65 : memref<!tpu.dma_semaphore, #tpu.memory_space<semaphore_mem>>) src(%dma_wait3A_79 : memref<128x128xf32, #tpu.memory_space<vmem>>) dst(%dma_wait3A_85 : memref<10240x128xf32, #tpu.memory_space<vmem_shared>>)
          tpu.yield
        }) : () -> ()
      }
      %scan3A_43 = arith.constant 79 : i32
    } else {
    }
    %barrier3A_8 = arith.constant 0 : index
    tpu.barrier barrier_id(%barrier3A_8)
    %mul3A_9 = arith.constant 640 : i32
    %mul3A_10 = arith.muli %arg1, %mul3A_9 : i32
    %mul3A_11 = arith.constant 640 : i32
    %mul3A_12 = arith.muli %arg1, %mul3A_11 : i32
    "tpu.region"() ({
      %run_scoped3A = tpu.sem_alloc : memref<!tpu.dma_semaphore, #tpu.memory_space<semaphore_mem>>
      %dma_start3A = arith.constant 0 : i32
      %dma_start3A_13 = arith.constant 0 : i32
      %dma_start3A_14 = tpu.memref_slice %arg7[%arg0, %dma_start3A, %dma_start3A_13] : memref<2x10240x128xf32, #tpu.memory_space<hbm>> -> memref<1x10240x128xf32, #tpu.memory_space<hbm>>
      %dma_start3A_15 = tpu.memref_squeeze %dma_start3A_14 : memref<1x10240x128xf32, #tpu.memory_space<hbm>> -> memref<10240x128xf32, #tpu.memory_space<hbm>>
      %dma_start3A_16 = arith.constant 0 : i32
      %dma_start3A_17 = tpu.memref_slice %dma_start3A_15[%mul3A_12, %dma_start3A_16] : memref<10240x128xf32, #tpu.memory_space<hbm>> -> memref<640x128xf32, #tpu.memory_space<hbm>>
      %dma_start3A_18 = arith.constant 0 : i32
      %dma_start3A_19 = tpu.memref_slice %arg11[%mul3A_10, %dma_start3A_18] : memref<10240x128xf32, #tpu.memory_space<vmem_shared>> -> memref<640x128xf32, #tpu.memory_space<vmem_shared>>
      tpu.enqueue_dma source(%dma_start3A_19 : memref<640x128xf32, #tpu.memory_space<vmem_shared>>) target(%dma_start3A_17 : memref<640x128xf32, #tpu.memory_space<hbm>>) target_semaphore(%run_scoped3A : memref<!tpu.dma_semaphore, #tpu.memory_space<semaphore_mem>>)
      %dma_wait3A = arith.constant 0 : i32
      %dma_wait3A_20 = arith.constant 0 : i32
      %dma_wait3A_21 = tpu.memref_slice %arg7[%arg0, %dma_wait3A, %dma_wait3A_20] : memref<2x10240x128xf32, #tpu.memory_space<hbm>> -> memref<1x10240x128xf32, #tpu.memory_space<hbm>>
      %dma_wait3A_22 = tpu.memref_squeeze %dma_wait3A_21 : memref<1x10240x128xf32, #tpu.memory_space<hbm>> -> memref<10240x128xf32, #tpu.memory_space<hbm>>
      %dma_wait3A_23 = arith.constant 0 : i32
      %dma_wait3A_24 = tpu.memref_slice %dma_wait3A_22[%mul3A_12, %dma_wait3A_23] : memref<10240x128xf32, #tpu.memory_space<hbm>> -> memref<640x128xf32, #tpu.memory_space<hbm>>
      %dma_wait3A_25 = arith.constant 0 : i32
      %dma_wait3A_26 = tpu.memref_slice %arg11[%mul3A_10, %dma_wait3A_25] : memref<10240x128xf32, #tpu.memory_space<vmem_shared>> -> memref<640x128xf32, #tpu.memory_space<vmem_shared>>
      tpu.wait_dma2 semaphore(%run_scoped3A : memref<!tpu.dma_semaphore, #tpu.memory_space<semaphore_mem>>) src(%dma_wait3A_26 : memref<640x128xf32, #tpu.memory_space<vmem_shared>>) dst(%dma_wait3A_24 : memref<640x128xf32, #tpu.memory_space<hbm>>)
      tpu.yield
    }) : () -> ()
    return
  }
}

#map = affine_map<(d0, d1) -> (0, 0)>
#map1 = affine_map<(d0, d1) -> (0, 0, 0)>
module attributes {stable_mosaic.version = 14 : i64} {
  func.func @_agg_kernel(%arg0: i32, %arg1: i32, %arg2: memref<10000x128xf32, #tpu.memory_space<hbm>>, %arg3: memref<10000x128xf32, #tpu.memory_space<hbm>>, %arg4: memref<16x79x128xi32, #tpu.memory_space<hbm>>, %arg5: memref<16x79x128xi32, #tpu.memory_space<hbm>>, %arg6: memref<640x128xf32, #tpu.memory_space<hbm>>, %arg7: memref<2x10240x128xf32, #tpu.memory_space<hbm>>, %arg8: memref<2x128xi32, #tpu.memory_space<vmem>>, %arg9: memref<79x128xi32, #tpu.memory_space<vmem>>, %arg10: memref<2x128x128xf32, #tpu.memory_space<vmem>>, %arg11: memref<10240x128xf32, #tpu.memory_space<vmem_shared>>, %arg12: memref<!tpu.dma_semaphore, #tpu.memory_space<semaphore_mem>>, %arg13: memref<!tpu.dma_semaphore, #tpu.memory_space<semaphore_mem>>) attributes {dimension_semantics = [#tpu.dimension_semantics<core_parallel>, #tpu.dimension_semantics<subcore_parallel>], iteration_bounds = array<i64: 2, 16>, scalar_prefetch = 0 : i64, scratch_operands = 6 : i64, tpu.core_type = #tpu.core_type<sc_vector_subcore>, window_params = [{transform_indices = #map}, {transform_indices = #map}, {transform_indices = #map1}, {transform_indices = #map1}, {transform_indices = #map}, {transform_indices = #map1}]} {
    "tpu.region"() ({
      %run_scoped3A = tpu.sem_alloc : memref<!tpu.dma_semaphore, #tpu.memory_space<semaphore_mem>>
      %dma_start3A = arith.constant 0 : i32
      %dma_start3A_13 = arith.constant 0 : i32
      %dma_start3A_14 = tpu.memref_slice %arg5[%arg1, %dma_start3A, %dma_start3A_13] : memref<16x79x128xi32, #tpu.memory_space<hbm>> -> memref<1x79x128xi32, #tpu.memory_space<hbm>>
      %dma_start3A_15 = tpu.memref_squeeze %dma_start3A_14 : memref<1x79x128xi32, #tpu.memory_space<hbm>> -> memref<79x128xi32, #tpu.memory_space<hbm>>
      %dma_start3A_16 = arith.constant 0 : i32
      %dma_start3A_17 = arith.constant 0 : i32
      %dma_start3A_18 = tpu.memref_slice %arg5[%arg1, %dma_start3A_16, %dma_start3A_17] : memref<16x79x128xi32, #tpu.memory_space<hbm>> -> memref<1x79x128xi32, #tpu.memory_space<hbm>>
      %dma_start3A_19 = tpu.memref_squeeze %dma_start3A_18 : memref<1x79x128xi32, #tpu.memory_space<hbm>> -> memref<79x128xi32, #tpu.memory_space<hbm>>
      tpu.enqueue_dma source(%dma_start3A_19 : memref<79x128xi32, #tpu.memory_space<hbm>>) target(%arg9 : memref<79x128xi32, #tpu.memory_space<vmem>>) target_semaphore(%run_scoped3A : memref<!tpu.dma_semaphore, #tpu.memory_space<semaphore_mem>>)
      %dma_wait3A = arith.constant 0 : i32
      %dma_wait3A_20 = arith.constant 0 : i32
      %dma_wait3A_21 = tpu.memref_slice %arg5[%arg1, %dma_wait3A, %dma_wait3A_20] : memref<16x79x128xi32, #tpu.memory_space<hbm>> -> memref<1x79x128xi32, #tpu.memory_space<hbm>>
      %dma_wait3A_22 = tpu.memref_squeeze %dma_wait3A_21 : memref<1x79x128xi32, #tpu.memory_space<hbm>> -> memref<79x128xi32, #tpu.memory_space<hbm>>
      %dma_wait3A_23 = arith.constant 0 : i32
      %dma_wait3A_24 = arith.constant 0 : i32
      %dma_wait3A_25 = tpu.memref_slice %arg5[%arg1, %dma_wait3A_23, %dma_wait3A_24] : memref<16x79x128xi32, #tpu.memory_space<hbm>> -> memref<1x79x128xi32, #tpu.memory_space<hbm>>
      %dma_wait3A_26 = tpu.memref_squeeze %dma_wait3A_25 : memref<1x79x128xi32, #tpu.memory_space<hbm>> -> memref<79x128xi32, #tpu.memory_space<hbm>>
      tpu.wait_dma2 semaphore(%run_scoped3A : memref<!tpu.dma_semaphore, #tpu.memory_space<semaphore_mem>>) src(%dma_wait3A_26 : memref<79x128xi32, #tpu.memory_space<hbm>>) dst(%arg9 : memref<79x128xi32, #tpu.memory_space<vmem>>)
      tpu.yield
    }) : () -> ()
    %mul3A = arith.constant 640 : i32
    %mul3A_0 = arith.muli %arg1, %mul3A : i32
    "tpu.region"() ({
      %run_scoped3A = tpu.sem_alloc : memref<!tpu.dma_semaphore, #tpu.memory_space<semaphore_mem>>
      %dma_start3A = arith.constant 0 : i32
      %dma_start3A_13 = tpu.memref_slice %arg11[%mul3A_0, %dma_start3A] : memref<10240x128xf32, #tpu.memory_space<vmem_shared>> -> memref<640x128xf32, #tpu.memory_space<vmem_shared>>
      tpu.enqueue_dma source(%arg6 : memref<640x128xf32, #tpu.memory_space<hbm>>) target(%dma_start3A_13 : memref<640x128xf32, #tpu.memory_space<vmem_shared>>) target_semaphore(%run_scoped3A : memref<!tpu.dma_semaphore, #tpu.memory_space<semaphore_mem>>)
      %dma_wait3A = arith.constant 0 : i32
      %dma_wait3A_14 = tpu.memref_slice %arg11[%mul3A_0, %dma_wait3A] : memref<10240x128xf32, #tpu.memory_space<vmem_shared>> -> memref<640x128xf32, #tpu.memory_space<vmem_shared>>
      tpu.wait_dma2 semaphore(%run_scoped3A : memref<!tpu.dma_semaphore, #tpu.memory_space<semaphore_mem>>) src(%arg6 : memref<640x128xf32, #tpu.memory_space<hbm>>) dst(%dma_wait3A_14 : memref<640x128xf32, #tpu.memory_space<vmem_shared>>)
      tpu.yield
    }) : () -> ()
    %barrier3A = arith.constant 0 : index
    tpu.barrier barrier_id(%barrier3A)
    %eq3A = arith.constant 0 : i32
    %eq3A_1 = arith.cmpi eq, %arg0, %eq3A : i32
    %convert_element_type3A = arith.extui %eq3A_1 : i1 to i32
    %cond3A = arith.constant 0 : i32
    %cond3A_2 = arith.cmpi ne, %convert_element_type3A, %cond3A : i32
    scf.if %cond3A_2 {
      %run_scoped3A = arith.constant 0 : i32
      %run_scoped3A_13 = arith.constant 0 : i32
      "tpu.region"() ({
        %run_scoped3A_44 = tpu.sem_alloc : memref<!tpu.dma_semaphore, #tpu.memory_space<semaphore_mem>>
        %dma_start3A_45 = arith.constant 0 : i32
        %dma_start3A_46 = tpu.memref_slice %arg8[%run_scoped3A_13, %dma_start3A_45] : memref<2x128xi32, #tpu.memory_space<vmem>> -> memref<1x128xi32, #tpu.memory_space<vmem>>
        %dma_start3A_47 = tpu.memref_squeeze %dma_start3A_46 : memref<1x128xi32, #tpu.memory_space<vmem>> -> memref<128xi32, #tpu.memory_space<vmem>>
        %dma_start3A_48 = arith.constant 0 : i32
        %dma_start3A_49 = tpu.memref_slice %arg4[%arg1, %run_scoped3A, %dma_start3A_48] : memref<16x79x128xi32, #tpu.memory_space<hbm>> -> memref<1x1x128xi32, #tpu.memory_space<hbm>>
        %dma_start3A_50 = tpu.memref_squeeze %dma_start3A_49 : memref<1x1x128xi32, #tpu.memory_space<hbm>> -> memref<128xi32, #tpu.memory_space<hbm>>
        %dma_start3A_51 = arith.constant 0 : i32
        %dma_start3A_52 = tpu.memref_slice %arg8[%run_scoped3A_13, %dma_start3A_51] : memref<2x128xi32, #tpu.memory_space<vmem>> -> memref<1x128xi32, #tpu.memory_space<vmem>>
        %dma_start3A_53 = tpu.memref_squeeze %dma_start3A_52 : memref<1x128xi32, #tpu.memory_space<vmem>> -> memref<128xi32, #tpu.memory_space<vmem>>
        %dma_start3A_54 = arith.constant 0 : i32
        %dma_start3A_55 = tpu.memref_slice %arg4[%arg1, %run_scoped3A, %dma_start3A_54] : memref<16x79x128xi32, #tpu.memory_space<hbm>> -> memref<1x1x128xi32, #tpu.memory_space<hbm>>
        %dma_start3A_56 = tpu.memref_squeeze %dma_start3A_55 : memref<1x1x128xi32, #tpu.memory_space<hbm>> -> memref<128xi32, #tpu.memory_space<hbm>>
        tpu.enqueue_dma source(%dma_start3A_56 : memref<128xi32, #tpu.memory_space<hbm>>) target(%dma_start3A_53 : memref<128xi32, #tpu.memory_space<vmem>>) target_semaphore(%run_scoped3A_44 : memref<!tpu.dma_semaphore, #tpu.memory_space<semaphore_mem>>)
        %dma_wait3A = arith.constant 0 : i32
        %dma_wait3A_57 = tpu.memref_slice %arg8[%run_scoped3A_13, %dma_wait3A] : memref<2x128xi32, #tpu.memory_space<vmem>> -> memref<1x128xi32, #tpu.memory_space<vmem>>
        %dma_wait3A_58 = tpu.memref_squeeze %dma_wait3A_57 : memref<1x128xi32, #tpu.memory_space<vmem>> -> memref<128xi32, #tpu.memory_space<vmem>>
        %dma_wait3A_59 = arith.constant 0 : i32
        %dma_wait3A_60 = tpu.memref_slice %arg4[%arg1, %run_scoped3A, %dma_wait3A_59] : memref<16x79x128xi32, #tpu.memory_space<hbm>> -> memref<1x1x128xi32, #tpu.memory_space<hbm>>
        %dma_wait3A_61 = tpu.memref_squeeze %dma_wait3A_60 : memref<1x1x128xi32, #tpu.memory_space<hbm>> -> memref<128xi32, #tpu.memory_space<hbm>>
        %dma_wait3A_62 = arith.constant 0 : i32
        %dma_wait3A_63 = tpu.memref_slice %arg8[%run_scoped3A_13, %dma_wait3A_62] : memref<2x128xi32, #tpu.memory_space<vmem>> -> memref<1x128xi32, #tpu.memory_space<vmem>>
        %dma_wait3A_64 = tpu.memref_squeeze %dma_wait3A_63 : memref<1x128xi32, #tpu.memory_space<vmem>> -> memref<128xi32, #tpu.memory_space<vmem>>
        %dma_wait3A_65 = arith.constant 0 : i32
        %dma_wait3A_66 = tpu.memref_slice %arg4[%arg1, %run_scoped3A, %dma_wait3A_65] : memref<16x79x128xi32, #tpu.memory_space<hbm>> -> memref<1x1x128xi32, #tpu.memory_space<hbm>>
        %dma_wait3A_67 = tpu.memref_squeeze %dma_wait3A_66 : memref<1x1x128xi32, #tpu.memory_space<hbm>> -> memref<128xi32, #tpu.memory_space<hbm>>
        tpu.wait_dma2 semaphore(%run_scoped3A_44 : memref<!tpu.dma_semaphore, #tpu.memory_space<semaphore_mem>>) src(%dma_wait3A_67 : memref<128xi32, #tpu.memory_space<hbm>>) dst(%dma_wait3A_64 : memref<128xi32, #tpu.memory_space<vmem>>)
        tpu.yield
      }) : () -> ()
      %dma_start3A = arith.constant 1 : i32
      %dma_start3A_14 = arith.constant 1 : i32
      %dma_start3A_15 = arith.constant 0 : i32
      %dma_start3A_16 = tpu.memref_slice %arg8[%dma_start3A_14, %dma_start3A_15] : memref<2x128xi32, #tpu.memory_space<vmem>> -> memref<1x128xi32, #tpu.memory_space<vmem>>
      %dma_start3A_17 = tpu.memref_squeeze %dma_start3A_16 : memref<1x128xi32, #tpu.memory_space<vmem>> -> memref<128xi32, #tpu.memory_space<vmem>>
      %dma_start3A_18 = arith.constant 0 : i32
      %dma_start3A_19 = tpu.memref_slice %arg4[%arg1, %dma_start3A, %dma_start3A_18] : memref<16x79x128xi32, #tpu.memory_space<hbm>> -> memref<1x1x128xi32, #tpu.memory_space<hbm>>
      %dma_start3A_20 = tpu.memref_squeeze %dma_start3A_19 : memref<1x1x128xi32, #tpu.memory_space<hbm>> -> memref<128xi32, #tpu.memory_space<hbm>>
      %dma_start3A_21 = arith.constant 0 : i32
      %dma_start3A_22 = tpu.memref_slice %arg8[%dma_start3A_14, %dma_start3A_21] : memref<2x128xi32, #tpu.memory_space<vmem>> -> memref<1x128xi32, #tpu.memory_space<vmem>>
      %dma_start3A_23 = tpu.memref_squeeze %dma_start3A_22 : memref<1x128xi32, #tpu.memory_space<vmem>> -> memref<128xi32, #tpu.memory_space<vmem>>
      %dma_start3A_24 = arith.constant 0 : i32
      %dma_start3A_25 = tpu.memref_slice %arg4[%arg1, %dma_start3A, %dma_start3A_24] : memref<16x79x128xi32, #tpu.memory_space<hbm>> -> memref<1x1x128xi32, #tpu.memory_space<hbm>>
      %dma_start3A_26 = tpu.memref_squeeze %dma_start3A_25 : memref<1x1x128xi32, #tpu.memory_space<hbm>> -> memref<128xi32, #tpu.memory_space<hbm>>
      tpu.enqueue_dma source(%dma_start3A_26 : memref<128xi32, #tpu.memory_space<hbm>>) target(%dma_start3A_23 : memref<128xi32, #tpu.memory_space<vmem>>) target_semaphore(%arg13 : memref<!tpu.dma_semaphore, #tpu.memory_space<semaphore_mem>>)
      %dma_start3A_27 = arith.constant 0 : i32
      %dma_start3A_28 = arith.constant 0 : i32
      %dma_start3A_29 = arith.constant 0 : i32
      %dma_start3A_30 = arith.constant 0 : i32
      %dma_start3A_31 = tpu.memref_slice %arg10[%dma_start3A_28, %dma_start3A_29, %dma_start3A_30] : memref<2x128x128xf32, #tpu.memory_space<vmem>> -> memref<1x128x128xf32, #tpu.memory_space<vmem>>
      %dma_start3A_32 = tpu.memref_squeeze %dma_start3A_31 : memref<1x128x128xf32, #tpu.memory_space<vmem>> -> memref<128x128xf32, #tpu.memory_space<vmem>>
      %dma_start3A_33 = arith.constant 0 : i32
      %dma_start3A_34 = tpu.memref_slice %arg8[%dma_start3A_27, %dma_start3A_33] : memref<2x128xi32, #tpu.memory_space<vmem>> -> memref<1x128xi32, #tpu.memory_space<vmem>>
      %dma_start3A_35 = tpu.memref_squeeze %dma_start3A_34 : memref<1x128xi32, #tpu.memory_space<vmem>> -> memref<128xi32, #tpu.memory_space<vmem>>
      %dma_start3A_36 = arith.constant 0 : i32
      %dma_start3A_37 = arith.constant 0 : i32
      %dma_start3A_38 = tpu.memref_slice %arg2[%dma_start3A_36, %dma_start3A_37] : memref<10000x128xf32, #tpu.memory_space<hbm>> -> memref<10000x128xf32, #tpu.memory_space<hbm>>
      tpu.enqueue_indirect_dma source(%dma_start3A_38 : memref<10000x128xf32, #tpu.memory_space<hbm>>) target(%dma_start3A_32 : memref<128x128xf32, #tpu.memory_space<vmem>>) offsets(%dma_start3A_35 : memref<128xi32, #tpu.memory_space<vmem>>) semaphore(%arg12 : memref<!tpu.dma_semaphore, #tpu.memory_space<semaphore_mem>>)
      %scan3A = arith.constant 0 : i32
      %scan3A_39 = arith.constant 0 : i32
      %scan3A_40 = arith.constant 79 : i32
      %scan3A_41 = arith.addi %scan3A_39, %scan3A_40 : i32
      %scan3A_42 = arith.constant 1 : i32
      scf.for %scan3A_44 = %scan3A_39 to %scan3A_41 step %scan3A_42  : i32 {
        %rem3A = arith.constant 2 : i32
        %rem3A_45 = arith.remsi %scan3A_44, %rem3A : i32
        %sub3A = arith.constant 1 : i32
        %sub3A_46 = arith.subi %sub3A, %rem3A_45 : i32
        %dma_wait3A = arith.constant 0 : i32
        %dma_wait3A_47 = arith.constant 0 : i32
        %dma_wait3A_48 = tpu.memref_slice %arg10[%rem3A_45, %dma_wait3A, %dma_wait3A_47] : memref<2x128x128xf32, #tpu.memory_space<vmem>> -> memref<1x128x128xf32, #tpu.memory_space<vmem>>
        %dma_wait3A_49 = tpu.memref_squeeze %dma_wait3A_48 : memref<1x128x128xf32, #tpu.memory_space<vmem>> -> memref<128x128xf32, #tpu.memory_space<vmem>>
        %dma_wait3A_50 = arith.constant 0 : i32
        %dma_wait3A_51 = tpu.memref_slice %arg8[%rem3A_45, %dma_wait3A_50] : memref<2x128xi32, #tpu.memory_space<vmem>> -> memref<1x128xi32, #tpu.memory_space<vmem>>
        %dma_wait3A_52 = tpu.memref_squeeze %dma_wait3A_51 : memref<1x128xi32, #tpu.memory_space<vmem>> -> memref<128xi32, #tpu.memory_space<vmem>>
        %dma_wait3A_53 = arith.constant 0 : i32
        %dma_wait3A_54 = arith.constant 0 : i32
        %dma_wait3A_55 = tpu.memref_slice %arg2[%dma_wait3A_53, %dma_wait3A_54] : memref<10000x128xf32, #tpu.memory_space<hbm>> -> memref<10000x128xf32, #tpu.memory_space<hbm>>
        tpu.wait_indirect_dma semaphore(%arg12 : memref<!tpu.dma_semaphore, #tpu.memory_space<semaphore_mem>>) src(%dma_wait3A_55 : memref<10000x128xf32, #tpu.memory_space<hbm>>) dst(%dma_wait3A_49 : memref<128x128xf32, #tpu.memory_space<vmem>>)
        %lt3A = arith.constant 78 : i32
        %lt3A_56 = arith.cmpi slt, %scan3A_44, %lt3A : i32
        %convert_element_type3A_57 = arith.extui %lt3A_56 : i1 to i32
        %cond3A_58 = arith.constant 0 : i32
        %cond3A_59 = arith.cmpi ne, %convert_element_type3A_57, %cond3A_58 : i32
        scf.if %cond3A_59 {
          %add3A = arith.constant 1 : i32
          %add3A_65 = arith.addi %scan3A_44, %add3A : i32
          %dma_wait3A_66 = arith.constant 0 : i32
          %dma_wait3A_67 = tpu.memref_slice %arg8[%sub3A_46, %dma_wait3A_66] : memref<2x128xi32, #tpu.memory_space<vmem>> -> memref<1x128xi32, #tpu.memory_space<vmem>>
          %dma_wait3A_68 = tpu.memref_squeeze %dma_wait3A_67 : memref<1x128xi32, #tpu.memory_space<vmem>> -> memref<128xi32, #tpu.memory_space<vmem>>
          %dma_wait3A_69 = arith.constant 0 : i32
          %dma_wait3A_70 = tpu.memref_slice %arg4[%arg1, %add3A_65, %dma_wait3A_69] : memref<16x79x128xi32, #tpu.memory_space<hbm>> -> memref<1x1x128xi32, #tpu.memory_space<hbm>>
          %dma_wait3A_71 = tpu.memref_squeeze %dma_wait3A_70 : memref<1x1x128xi32, #tpu.memory_space<hbm>> -> memref<128xi32, #tpu.memory_space<hbm>>
          %dma_wait3A_72 = arith.constant 0 : i32
          %dma_wait3A_73 = tpu.memref_slice %arg8[%sub3A_46, %dma_wait3A_72] : memref<2x128xi32, #tpu.memory_space<vmem>> -> memref<1x128xi32, #tpu.memory_space<vmem>>
          %dma_wait3A_74 = tpu.memref_squeeze %dma_wait3A_73 : memref<1x128xi32, #tpu.memory_space<vmem>> -> memref<128xi32, #tpu.memory_space<vmem>>
          %dma_wait3A_75 = arith.constant 0 : i32
          %dma_wait3A_76 = tpu.memref_slice %arg4[%arg1, %add3A_65, %dma_wait3A_75] : memref<16x79x128xi32, #tpu.memory_space<hbm>> -> memref<1x1x128xi32, #tpu.memory_space<hbm>>
          %dma_wait3A_77 = tpu.memref_squeeze %dma_wait3A_76 : memref<1x1x128xi32, #tpu.memory_space<hbm>> -> memref<128xi32, #tpu.memory_space<hbm>>
          tpu.wait_dma2 semaphore(%arg13 : memref<!tpu.dma_semaphore, #tpu.memory_space<semaphore_mem>>) src(%dma_wait3A_77 : memref<128xi32, #tpu.memory_space<hbm>>) dst(%dma_wait3A_74 : memref<128xi32, #tpu.memory_space<vmem>>)
          %dma_start3A_78 = arith.constant 0 : i32
          %dma_start3A_79 = arith.constant 0 : i32
          %dma_start3A_80 = tpu.memref_slice %arg10[%sub3A_46, %dma_start3A_78, %dma_start3A_79] : memref<2x128x128xf32, #tpu.memory_space<vmem>> -> memref<1x128x128xf32, #tpu.memory_space<vmem>>
          %dma_start3A_81 = tpu.memref_squeeze %dma_start3A_80 : memref<1x128x128xf32, #tpu.memory_space<vmem>> -> memref<128x128xf32, #tpu.memory_space<vmem>>
          %dma_start3A_82 = arith.constant 0 : i32
          %dma_start3A_83 = tpu.memref_slice %arg8[%sub3A_46, %dma_start3A_82] : memref<2x128xi32, #tpu.memory_space<vmem>> -> memref<1x128xi32, #tpu.memory_space<vmem>>
          %dma_start3A_84 = tpu.memref_squeeze %dma_start3A_83 : memref<1x128xi32, #tpu.memory_space<vmem>> -> memref<128xi32, #tpu.memory_space<vmem>>
          %dma_start3A_85 = arith.constant 0 : i32
          %dma_start3A_86 = arith.constant 0 : i32
          %dma_start3A_87 = tpu.memref_slice %arg2[%dma_start3A_85, %dma_start3A_86] : memref<10000x128xf32, #tpu.memory_space<hbm>> -> memref<10000x128xf32, #tpu.memory_space<hbm>>
          tpu.enqueue_indirect_dma source(%dma_start3A_87 : memref<10000x128xf32, #tpu.memory_space<hbm>>) target(%dma_start3A_81 : memref<128x128xf32, #tpu.memory_space<vmem>>) offsets(%dma_start3A_84 : memref<128xi32, #tpu.memory_space<vmem>>) semaphore(%arg12 : memref<!tpu.dma_semaphore, #tpu.memory_space<semaphore_mem>>)
        } else {
        }
        %lt3A_60 = arith.constant 77 : i32
        %lt3A_61 = arith.cmpi slt, %scan3A_44, %lt3A_60 : i32
        %convert_element_type3A_62 = arith.extui %lt3A_61 : i1 to i32
        %cond3A_63 = arith.constant 0 : i32
        %cond3A_64 = arith.cmpi ne, %convert_element_type3A_62, %cond3A_63 : i32
        scf.if %cond3A_64 {
          %add3A = arith.constant 2 : i32
          %add3A_65 = arith.addi %scan3A_44, %add3A : i32
          %dma_start3A_66 = arith.constant 0 : i32
          %dma_start3A_67 = tpu.memref_slice %arg8[%rem3A_45, %dma_start3A_66] : memref<2x128xi32, #tpu.memory_space<vmem>> -> memref<1x128xi32, #tpu.memory_space<vmem>>
          %dma_start3A_68 = tpu.memref_squeeze %dma_start3A_67 : memref<1x128xi32, #tpu.memory_space<vmem>> -> memref<128xi32, #tpu.memory_space<vmem>>
          %dma_start3A_69 = arith.constant 0 : i32
          %dma_start3A_70 = tpu.memref_slice %arg4[%arg1, %add3A_65, %dma_start3A_69] : memref<16x79x128xi32, #tpu.memory_space<hbm>> -> memref<1x1x128xi32, #tpu.memory_space<hbm>>
          %dma_start3A_71 = tpu.memref_squeeze %dma_start3A_70 : memref<1x1x128xi32, #tpu.memory_space<hbm>> -> memref<128xi32, #tpu.memory_space<hbm>>
          %dma_start3A_72 = arith.constant 0 : i32
          %dma_start3A_73 = tpu.memref_slice %arg8[%rem3A_45, %dma_start3A_72] : memref<2x128xi32, #tpu.memory_space<vmem>> -> memref<1x128xi32, #tpu.memory_space<vmem>>
          %dma_start3A_74 = tpu.memref_squeeze %dma_start3A_73 : memref<1x128xi32, #tpu.memory_space<vmem>> -> memref<128xi32, #tpu.memory_space<vmem>>
          %dma_start3A_75 = arith.constant 0 : i32
          %dma_start3A_76 = tpu.memref_slice %arg4[%arg1, %add3A_65, %dma_start3A_75] : memref<16x79x128xi32, #tpu.memory_space<hbm>> -> memref<1x1x128xi32, #tpu.memory_space<hbm>>
          %dma_start3A_77 = tpu.memref_squeeze %dma_start3A_76 : memref<1x1x128xi32, #tpu.memory_space<hbm>> -> memref<128xi32, #tpu.memory_space<hbm>>
          tpu.enqueue_dma source(%dma_start3A_77 : memref<128xi32, #tpu.memory_space<hbm>>) target(%dma_start3A_74 : memref<128xi32, #tpu.memory_space<vmem>>) target_semaphore(%arg13 : memref<!tpu.dma_semaphore, #tpu.memory_space<semaphore_mem>>)
        } else {
        }
        "tpu.region"() ({
          %run_scoped3A_65 = tpu.sem_alloc : memref<!tpu.dma_semaphore, #tpu.memory_space<semaphore_mem>>
          %dma_start3A_66 = arith.constant 0 : i32
          %dma_start3A_67 = arith.constant 0 : i32
          %dma_start3A_68 = tpu.memref_slice %arg10[%rem3A_45, %dma_start3A_66, %dma_start3A_67] : memref<2x128x128xf32, #tpu.memory_space<vmem>> -> memref<1x128x128xf32, #tpu.memory_space<vmem>>
          %dma_start3A_69 = tpu.memref_squeeze %dma_start3A_68 : memref<1x128x128xf32, #tpu.memory_space<vmem>> -> memref<128x128xf32, #tpu.memory_space<vmem>>
          %dma_start3A_70 = arith.constant 0 : i32
          %dma_start3A_71 = tpu.memref_slice %arg9[%scan3A_44, %dma_start3A_70] : memref<79x128xi32, #tpu.memory_space<vmem>> -> memref<1x128xi32, #tpu.memory_space<vmem>>
          %dma_start3A_72 = tpu.memref_squeeze %dma_start3A_71 : memref<1x128xi32, #tpu.memory_space<vmem>> -> memref<128xi32, #tpu.memory_space<vmem>>
          %dma_start3A_73 = arith.constant 0 : i32
          %dma_start3A_74 = arith.constant 0 : i32
          %dma_start3A_75 = tpu.memref_slice %arg11[%dma_start3A_73, %dma_start3A_74] : memref<10240x128xf32, #tpu.memory_space<vmem_shared>> -> memref<10240x128xf32, #tpu.memory_space<vmem_shared>>
          tpu.enqueue_indirect_dma source(%dma_start3A_69 : memref<128x128xf32, #tpu.memory_space<vmem>>) target(%dma_start3A_75 : memref<10240x128xf32, #tpu.memory_space<vmem_shared>>) offsets(%dma_start3A_72 : memref<128xi32, #tpu.memory_space<vmem>>) semaphore(%run_scoped3A_65 : memref<!tpu.dma_semaphore, #tpu.memory_space<semaphore_mem>>) {add = true}
          %dma_wait3A_76 = arith.constant 0 : i32
          %dma_wait3A_77 = arith.constant 0 : i32
          %dma_wait3A_78 = tpu.memref_slice %arg10[%rem3A_45, %dma_wait3A_76, %dma_wait3A_77] : memref<2x128x128xf32, #tpu.memory_space<vmem>> -> memref<1x128x128xf32, #tpu.memory_space<vmem>>
          %dma_wait3A_79 = tpu.memref_squeeze %dma_wait3A_78 : memref<1x128x128xf32, #tpu.memory_space<vmem>> -> memref<128x128xf32, #tpu.memory_space<vmem>>
          %dma_wait3A_80 = arith.constant 0 : i32
          %dma_wait3A_81 = tpu.memref_slice %arg9[%scan3A_44, %dma_wait3A_80] : memref<79x128xi32, #tpu.memory_space<vmem>> -> memref<1x128xi32, #tpu.memory_space<vmem>>
          %dma_wait3A_82 = tpu.memref_squeeze %dma_wait3A_81 : memref<1x128xi32, #tpu.memory_space<vmem>> -> memref<128xi32, #tpu.memory_space<vmem>>
          %dma_wait3A_83 = arith.constant 0 : i32
          %dma_wait3A_84 = arith.constant 0 : i32
          %dma_wait3A_85 = tpu.memref_slice %arg11[%dma_wait3A_83, %dma_wait3A_84] : memref<10240x128xf32, #tpu.memory_space<vmem_shared>> -> memref<10240x128xf32, #tpu.memory_space<vmem_shared>>
          tpu.wait_indirect_dma semaphore(%run_scoped3A_65 : memref<!tpu.dma_semaphore, #tpu.memory_space<semaphore_mem>>) src(%dma_wait3A_79 : memref<128x128xf32, #tpu.memory_space<vmem>>) dst(%dma_wait3A_85 : memref<10240x128xf32, #tpu.memory_space<vmem_shared>>)
          tpu.yield
        }) : () -> ()
      }
      %scan3A_43 = arith.constant 79 : i32
    } else {
    }
    %eq3A_3 = arith.constant 1 : i32
    %eq3A_4 = arith.cmpi eq, %arg0, %eq3A_3 : i32
    %convert_element_type3A_5 = arith.extui %eq3A_4 : i1 to i32
    %cond3A_6 = arith.constant 0 : i32
    %cond3A_7 = arith.cmpi ne, %convert_element_type3A_5, %cond3A_6 : i32
    scf.if %cond3A_7 {
      %run_scoped3A = arith.constant 0 : i32
      %run_scoped3A_13 = arith.constant 0 : i32
      "tpu.region"() ({
        %run_scoped3A_44 = tpu.sem_alloc : memref<!tpu.dma_semaphore, #tpu.memory_space<semaphore_mem>>
        %dma_start3A_45 = arith.constant 0 : i32
        %dma_start3A_46 = tpu.memref_slice %arg8[%run_scoped3A_13, %dma_start3A_45] : memref<2x128xi32, #tpu.memory_space<vmem>> -> memref<1x128xi32, #tpu.memory_space<vmem>>
        %dma_start3A_47 = tpu.memref_squeeze %dma_start3A_46 : memref<1x128xi32, #tpu.memory_space<vmem>> -> memref<128xi32, #tpu.memory_space<vmem>>
        %dma_start3A_48 = arith.constant 0 : i32
        %dma_start3A_49 = tpu.memref_slice %arg4[%arg1, %run_scoped3A, %dma_start3A_48] : memref<16x79x128xi32, #tpu.memory_space<hbm>> -> memref<1x1x128xi32, #tpu.memory_space<hbm>>
        %dma_start3A_50 = tpu.memref_squeeze %dma_start3A_49 : memref<1x1x128xi32, #tpu.memory_space<hbm>> -> memref<128xi32, #tpu.memory_space<hbm>>
        %dma_start3A_51 = arith.constant 0 : i32
        %dma_start3A_52 = tpu.memref_slice %arg8[%run_scoped3A_13, %dma_start3A_51] : memref<2x128xi32, #tpu.memory_space<vmem>> -> memref<1x128xi32, #tpu.memory_space<vmem>>
        %dma_start3A_53 = tpu.memref_squeeze %dma_start3A_52 : memref<1x128xi32, #tpu.memory_space<vmem>> -> memref<128xi32, #tpu.memory_space<vmem>>
        %dma_start3A_54 = arith.constant 0 : i32
        %dma_start3A_55 = tpu.memref_slice %arg4[%arg1, %run_scoped3A, %dma_start3A_54] : memref<16x79x128xi32, #tpu.memory_space<hbm>> -> memref<1x1x128xi32, #tpu.memory_space<hbm>>
        %dma_start3A_56 = tpu.memref_squeeze %dma_start3A_55 : memref<1x1x128xi32, #tpu.memory_space<hbm>> -> memref<128xi32, #tpu.memory_space<hbm>>
        tpu.enqueue_dma source(%dma_start3A_56 : memref<128xi32, #tpu.memory_space<hbm>>) target(%dma_start3A_53 : memref<128xi32, #tpu.memory_space<vmem>>) target_semaphore(%run_scoped3A_44 : memref<!tpu.dma_semaphore, #tpu.memory_space<semaphore_mem>>)
        %dma_wait3A = arith.constant 0 : i32
        %dma_wait3A_57 = tpu.memref_slice %arg8[%run_scoped3A_13, %dma_wait3A] : memref<2x128xi32, #tpu.memory_space<vmem>> -> memref<1x128xi32, #tpu.memory_space<vmem>>
        %dma_wait3A_58 = tpu.memref_squeeze %dma_wait3A_57 : memref<1x128xi32, #tpu.memory_space<vmem>> -> memref<128xi32, #tpu.memory_space<vmem>>
        %dma_wait3A_59 = arith.constant 0 : i32
        %dma_wait3A_60 = tpu.memref_slice %arg4[%arg1, %run_scoped3A, %dma_wait3A_59] : memref<16x79x128xi32, #tpu.memory_space<hbm>> -> memref<1x1x128xi32, #tpu.memory_space<hbm>>
        %dma_wait3A_61 = tpu.memref_squeeze %dma_wait3A_60 : memref<1x1x128xi32, #tpu.memory_space<hbm>> -> memref<128xi32, #tpu.memory_space<hbm>>
        %dma_wait3A_62 = arith.constant 0 : i32
        %dma_wait3A_63 = tpu.memref_slice %arg8[%run_scoped3A_13, %dma_wait3A_62] : memref<2x128xi32, #tpu.memory_space<vmem>> -> memref<1x128xi32, #tpu.memory_space<vmem>>
        %dma_wait3A_64 = tpu.memref_squeeze %dma_wait3A_63 : memref<1x128xi32, #tpu.memory_space<vmem>> -> memref<128xi32, #tpu.memory_space<vmem>>
        %dma_wait3A_65 = arith.constant 0 : i32
        %dma_wait3A_66 = tpu.memref_slice %arg4[%arg1, %run_scoped3A, %dma_wait3A_65] : memref<16x79x128xi32, #tpu.memory_space<hbm>> -> memref<1x1x128xi32, #tpu.memory_space<hbm>>
        %dma_wait3A_67 = tpu.memref_squeeze %dma_wait3A_66 : memref<1x1x128xi32, #tpu.memory_space<hbm>> -> memref<128xi32, #tpu.memory_space<hbm>>
        tpu.wait_dma2 semaphore(%run_scoped3A_44 : memref<!tpu.dma_semaphore, #tpu.memory_space<semaphore_mem>>) src(%dma_wait3A_67 : memref<128xi32, #tpu.memory_space<hbm>>) dst(%dma_wait3A_64 : memref<128xi32, #tpu.memory_space<vmem>>)
        tpu.yield
      }) : () -> ()
      %dma_start3A = arith.constant 1 : i32
      %dma_start3A_14 = arith.constant 1 : i32
      %dma_start3A_15 = arith.constant 0 : i32
      %dma_start3A_16 = tpu.memref_slice %arg8[%dma_start3A_14, %dma_start3A_15] : memref<2x128xi32, #tpu.memory_space<vmem>> -> memref<1x128xi32, #tpu.memory_space<vmem>>
      %dma_start3A_17 = tpu.memref_squeeze %dma_start3A_16 : memref<1x128xi32, #tpu.memory_space<vmem>> -> memref<128xi32, #tpu.memory_space<vmem>>
      %dma_start3A_18 = arith.constant 0 : i32
      %dma_start3A_19 = tpu.memref_slice %arg4[%arg1, %dma_start3A, %dma_start3A_18] : memref<16x79x128xi32, #tpu.memory_space<hbm>> -> memref<1x1x128xi32, #tpu.memory_space<hbm>>
      %dma_start3A_20 = tpu.memref_squeeze %dma_start3A_19 : memref<1x1x128xi32, #tpu.memory_space<hbm>> -> memref<128xi32, #tpu.memory_space<hbm>>
      %dma_start3A_21 = arith.constant 0 : i32
      %dma_start3A_22 = tpu.memref_slice %arg8[%dma_start3A_14, %dma_start3A_21] : memref<2x128xi32, #tpu.memory_space<vmem>> -> memref<1x128xi32, #tpu.memory_space<vmem>>
      %dma_start3A_23 = tpu.memref_squeeze %dma_start3A_22 : memref<1x128xi32, #tpu.memory_space<vmem>> -> memref<128xi32, #tpu.memory_space<vmem>>
      %dma_start3A_24 = arith.constant 0 : i32
      %dma_start3A_25 = tpu.memref_slice %arg4[%arg1, %dma_start3A, %dma_start3A_24] : memref<16x79x128xi32, #tpu.memory_space<hbm>> -> memref<1x1x128xi32, #tpu.memory_space<hbm>>
      %dma_start3A_26 = tpu.memref_squeeze %dma_start3A_25 : memref<1x1x128xi32, #tpu.memory_space<hbm>> -> memref<128xi32, #tpu.memory_space<hbm>>
      tpu.enqueue_dma source(%dma_start3A_26 : memref<128xi32, #tpu.memory_space<hbm>>) target(%dma_start3A_23 : memref<128xi32, #tpu.memory_space<vmem>>) target_semaphore(%arg13 : memref<!tpu.dma_semaphore, #tpu.memory_space<semaphore_mem>>)
      %dma_start3A_27 = arith.constant 0 : i32
      %dma_start3A_28 = arith.constant 0 : i32
      %dma_start3A_29 = arith.constant 0 : i32
      %dma_start3A_30 = arith.constant 0 : i32
      %dma_start3A_31 = tpu.memref_slice %arg10[%dma_start3A_28, %dma_start3A_29, %dma_start3A_30] : memref<2x128x128xf32, #tpu.memory_space<vmem>> -> memref<1x128x128xf32, #tpu.memory_space<vmem>>
      %dma_start3A_32 = tpu.memref_squeeze %dma_start3A_31 : memref<1x128x128xf32, #tpu.memory_space<vmem>> -> memref<128x128xf32, #tpu.memory_space<vmem>>
      %dma_start3A_33 = arith.constant 0 : i32
      %dma_start3A_34 = tpu.memref_slice %arg8[%dma_start3A_27, %dma_start3A_33] : memref<2x128xi32, #tpu.memory_space<vmem>> -> memref<1x128xi32, #tpu.memory_space<vmem>>
      %dma_start3A_35 = tpu.memref_squeeze %dma_start3A_34 : memref<1x128xi32, #tpu.memory_space<vmem>> -> memref<128xi32, #tpu.memory_space<vmem>>
      %dma_start3A_36 = arith.constant 0 : i32
      %dma_start3A_37 = arith.constant 0 : i32
      %dma_start3A_38 = tpu.memref_slice %arg3[%dma_start3A_36, %dma_start3A_37] : memref<10000x128xf32, #tpu.memory_space<hbm>> -> memref<10000x128xf32, #tpu.memory_space<hbm>>
      tpu.enqueue_indirect_dma source(%dma_start3A_38 : memref<10000x128xf32, #tpu.memory_space<hbm>>) target(%dma_start3A_32 : memref<128x128xf32, #tpu.memory_space<vmem>>) offsets(%dma_start3A_35 : memref<128xi32, #tpu.memory_space<vmem>>) semaphore(%arg12 : memref<!tpu.dma_semaphore, #tpu.memory_space<semaphore_mem>>)
      %scan3A = arith.constant 0 : i32
      %scan3A_39 = arith.constant 0 : i32
      %scan3A_40 = arith.constant 79 : i32
      %scan3A_41 = arith.addi %scan3A_39, %scan3A_40 : i32
      %scan3A_42 = arith.constant 1 : i32
      scf.for %scan3A_44 = %scan3A_39 to %scan3A_41 step %scan3A_42  : i32 {
        %rem3A = arith.constant 2 : i32
        %rem3A_45 = arith.remsi %scan3A_44, %rem3A : i32
        %sub3A = arith.constant 1 : i32
        %sub3A_46 = arith.subi %sub3A, %rem3A_45 : i32
        %dma_wait3A = arith.constant 0 : i32
        %dma_wait3A_47 = arith.constant 0 : i32
        %dma_wait3A_48 = tpu.memref_slice %arg10[%rem3A_45, %dma_wait3A, %dma_wait3A_47] : memref<2x128x128xf32, #tpu.memory_space<vmem>> -> memref<1x128x128xf32, #tpu.memory_space<vmem>>
        %dma_wait3A_49 = tpu.memref_squeeze %dma_wait3A_48 : memref<1x128x128xf32, #tpu.memory_space<vmem>> -> memref<128x128xf32, #tpu.memory_space<vmem>>
        %dma_wait3A_50 = arith.constant 0 : i32
        %dma_wait3A_51 = tpu.memref_slice %arg8[%rem3A_45, %dma_wait3A_50] : memref<2x128xi32, #tpu.memory_space<vmem>> -> memref<1x128xi32, #tpu.memory_space<vmem>>
        %dma_wait3A_52 = tpu.memref_squeeze %dma_wait3A_51 : memref<1x128xi32, #tpu.memory_space<vmem>> -> memref<128xi32, #tpu.memory_space<vmem>>
        %dma_wait3A_53 = arith.constant 0 : i32
        %dma_wait3A_54 = arith.constant 0 : i32
        %dma_wait3A_55 = tpu.memref_slice %arg3[%dma_wait3A_53, %dma_wait3A_54] : memref<10000x128xf32, #tpu.memory_space<hbm>> -> memref<10000x128xf32, #tpu.memory_space<hbm>>
        tpu.wait_indirect_dma semaphore(%arg12 : memref<!tpu.dma_semaphore, #tpu.memory_space<semaphore_mem>>) src(%dma_wait3A_55 : memref<10000x128xf32, #tpu.memory_space<hbm>>) dst(%dma_wait3A_49 : memref<128x128xf32, #tpu.memory_space<vmem>>)
        %lt3A = arith.constant 78 : i32
        %lt3A_56 = arith.cmpi slt, %scan3A_44, %lt3A : i32
        %convert_element_type3A_57 = arith.extui %lt3A_56 : i1 to i32
        %cond3A_58 = arith.constant 0 : i32
        %cond3A_59 = arith.cmpi ne, %convert_element_type3A_57, %cond3A_58 : i32
        scf.if %cond3A_59 {
          %add3A = arith.constant 1 : i32
          %add3A_65 = arith.addi %scan3A_44, %add3A : i32
          %dma_wait3A_66 = arith.constant 0 : i32
          %dma_wait3A_67 = tpu.memref_slice %arg8[%sub3A_46, %dma_wait3A_66] : memref<2x128xi32, #tpu.memory_space<vmem>> -> memref<1x128xi32, #tpu.memory_space<vmem>>
          %dma_wait3A_68 = tpu.memref_squeeze %dma_wait3A_67 : memref<1x128xi32, #tpu.memory_space<vmem>> -> memref<128xi32, #tpu.memory_space<vmem>>
          %dma_wait3A_69 = arith.constant 0 : i32
          %dma_wait3A_70 = tpu.memref_slice %arg4[%arg1, %add3A_65, %dma_wait3A_69] : memref<16x79x128xi32, #tpu.memory_space<hbm>> -> memref<1x1x128xi32, #tpu.memory_space<hbm>>
          %dma_wait3A_71 = tpu.memref_squeeze %dma_wait3A_70 : memref<1x1x128xi32, #tpu.memory_space<hbm>> -> memref<128xi32, #tpu.memory_space<hbm>>
          %dma_wait3A_72 = arith.constant 0 : i32
          %dma_wait3A_73 = tpu.memref_slice %arg8[%sub3A_46, %dma_wait3A_72] : memref<2x128xi32, #tpu.memory_space<vmem>> -> memref<1x128xi32, #tpu.memory_space<vmem>>
          %dma_wait3A_74 = tpu.memref_squeeze %dma_wait3A_73 : memref<1x128xi32, #tpu.memory_space<vmem>> -> memref<128xi32, #tpu.memory_space<vmem>>
          %dma_wait3A_75 = arith.constant 0 : i32
          %dma_wait3A_76 = tpu.memref_slice %arg4[%arg1, %add3A_65, %dma_wait3A_75] : memref<16x79x128xi32, #tpu.memory_space<hbm>> -> memref<1x1x128xi32, #tpu.memory_space<hbm>>
          %dma_wait3A_77 = tpu.memref_squeeze %dma_wait3A_76 : memref<1x1x128xi32, #tpu.memory_space<hbm>> -> memref<128xi32, #tpu.memory_space<hbm>>
          tpu.wait_dma2 semaphore(%arg13 : memref<!tpu.dma_semaphore, #tpu.memory_space<semaphore_mem>>) src(%dma_wait3A_77 : memref<128xi32, #tpu.memory_space<hbm>>) dst(%dma_wait3A_74 : memref<128xi32, #tpu.memory_space<vmem>>)
          %dma_start3A_78 = arith.constant 0 : i32
          %dma_start3A_79 = arith.constant 0 : i32
          %dma_start3A_80 = tpu.memref_slice %arg10[%sub3A_46, %dma_start3A_78, %dma_start3A_79] : memref<2x128x128xf32, #tpu.memory_space<vmem>> -> memref<1x128x128xf32, #tpu.memory_space<vmem>>
          %dma_start3A_81 = tpu.memref_squeeze %dma_start3A_80 : memref<1x128x128xf32, #tpu.memory_space<vmem>> -> memref<128x128xf32, #tpu.memory_space<vmem>>
          %dma_start3A_82 = arith.constant 0 : i32
          %dma_start3A_83 = tpu.memref_slice %arg8[%sub3A_46, %dma_start3A_82] : memref<2x128xi32, #tpu.memory_space<vmem>> -> memref<1x128xi32, #tpu.memory_space<vmem>>
          %dma_start3A_84 = tpu.memref_squeeze %dma_start3A_83 : memref<1x128xi32, #tpu.memory_space<vmem>> -> memref<128xi32, #tpu.memory_space<vmem>>
          %dma_start3A_85 = arith.constant 0 : i32
          %dma_start3A_86 = arith.constant 0 : i32
          %dma_start3A_87 = tpu.memref_slice %arg3[%dma_start3A_85, %dma_start3A_86] : memref<10000x128xf32, #tpu.memory_space<hbm>> -> memref<10000x128xf32, #tpu.memory_space<hbm>>
          tpu.enqueue_indirect_dma source(%dma_start3A_87 : memref<10000x128xf32, #tpu.memory_space<hbm>>) target(%dma_start3A_81 : memref<128x128xf32, #tpu.memory_space<vmem>>) offsets(%dma_start3A_84 : memref<128xi32, #tpu.memory_space<vmem>>) semaphore(%arg12 : memref<!tpu.dma_semaphore, #tpu.memory_space<semaphore_mem>>)
        } else {
        }
        %lt3A_60 = arith.constant 77 : i32
        %lt3A_61 = arith.cmpi slt, %scan3A_44, %lt3A_60 : i32
        %convert_element_type3A_62 = arith.extui %lt3A_61 : i1 to i32
        %cond3A_63 = arith.constant 0 : i32
        %cond3A_64 = arith.cmpi ne, %convert_element_type3A_62, %cond3A_63 : i32
        scf.if %cond3A_64 {
          %add3A = arith.constant 2 : i32
          %add3A_65 = arith.addi %scan3A_44, %add3A : i32
          %dma_start3A_66 = arith.constant 0 : i32
          %dma_start3A_67 = tpu.memref_slice %arg8[%rem3A_45, %dma_start3A_66] : memref<2x128xi32, #tpu.memory_space<vmem>> -> memref<1x128xi32, #tpu.memory_space<vmem>>
          %dma_start3A_68 = tpu.memref_squeeze %dma_start3A_67 : memref<1x128xi32, #tpu.memory_space<vmem>> -> memref<128xi32, #tpu.memory_space<vmem>>
          %dma_start3A_69 = arith.constant 0 : i32
          %dma_start3A_70 = tpu.memref_slice %arg4[%arg1, %add3A_65, %dma_start3A_69] : memref<16x79x128xi32, #tpu.memory_space<hbm>> -> memref<1x1x128xi32, #tpu.memory_space<hbm>>
          %dma_start3A_71 = tpu.memref_squeeze %dma_start3A_70 : memref<1x1x128xi32, #tpu.memory_space<hbm>> -> memref<128xi32, #tpu.memory_space<hbm>>
          %dma_start3A_72 = arith.constant 0 : i32
          %dma_start3A_73 = tpu.memref_slice %arg8[%rem3A_45, %dma_start3A_72] : memref<2x128xi32, #tpu.memory_space<vmem>> -> memref<1x128xi32, #tpu.memory_space<vmem>>
          %dma_start3A_74 = tpu.memref_squeeze %dma_start3A_73 : memref<1x128xi32, #tpu.memory_space<vmem>> -> memref<128xi32, #tpu.memory_space<vmem>>
          %dma_start3A_75 = arith.constant 0 : i32
          %dma_start3A_76 = tpu.memref_slice %arg4[%arg1, %add3A_65, %dma_start3A_75] : memref<16x79x128xi32, #tpu.memory_space<hbm>> -> memref<1x1x128xi32, #tpu.memory_space<hbm>>
          %dma_start3A_77 = tpu.memref_squeeze %dma_start3A_76 : memref<1x1x128xi32, #tpu.memory_space<hbm>> -> memref<128xi32, #tpu.memory_space<hbm>>
          tpu.enqueue_dma source(%dma_start3A_77 : memref<128xi32, #tpu.memory_space<hbm>>) target(%dma_start3A_74 : memref<128xi32, #tpu.memory_space<vmem>>) target_semaphore(%arg13 : memref<!tpu.dma_semaphore, #tpu.memory_space<semaphore_mem>>)
        } else {
        }
        "tpu.region"() ({
          %run_scoped3A_65 = tpu.sem_alloc : memref<!tpu.dma_semaphore, #tpu.memory_space<semaphore_mem>>
          %dma_start3A_66 = arith.constant 0 : i32
          %dma_start3A_67 = arith.constant 0 : i32
          %dma_start3A_68 = tpu.memref_slice %arg10[%rem3A_45, %dma_start3A_66, %dma_start3A_67] : memref<2x128x128xf32, #tpu.memory_space<vmem>> -> memref<1x128x128xf32, #tpu.memory_space<vmem>>
          %dma_start3A_69 = tpu.memref_squeeze %dma_start3A_68 : memref<1x128x128xf32, #tpu.memory_space<vmem>> -> memref<128x128xf32, #tpu.memory_space<vmem>>
          %dma_start3A_70 = arith.constant 0 : i32
          %dma_start3A_71 = tpu.memref_slice %arg9[%scan3A_44, %dma_start3A_70] : memref<79x128xi32, #tpu.memory_space<vmem>> -> memref<1x128xi32, #tpu.memory_space<vmem>>
          %dma_start3A_72 = tpu.memref_squeeze %dma_start3A_71 : memref<1x128xi32, #tpu.memory_space<vmem>> -> memref<128xi32, #tpu.memory_space<vmem>>
          %dma_start3A_73 = arith.constant 0 : i32
          %dma_start3A_74 = arith.constant 0 : i32
          %dma_start3A_75 = tpu.memref_slice %arg11[%dma_start3A_73, %dma_start3A_74] : memref<10240x128xf32, #tpu.memory_space<vmem_shared>> -> memref<10240x128xf32, #tpu.memory_space<vmem_shared>>
          tpu.enqueue_indirect_dma source(%dma_start3A_69 : memref<128x128xf32, #tpu.memory_space<vmem>>) target(%dma_start3A_75 : memref<10240x128xf32, #tpu.memory_space<vmem_shared>>) offsets(%dma_start3A_72 : memref<128xi32, #tpu.memory_space<vmem>>) semaphore(%run_scoped3A_65 : memref<!tpu.dma_semaphore, #tpu.memory_space<semaphore_mem>>) {add = true}
          %dma_wait3A_76 = arith.constant 0 : i32
          %dma_wait3A_77 = arith.constant 0 : i32
          %dma_wait3A_78 = tpu.memref_slice %arg10[%rem3A_45, %dma_wait3A_76, %dma_wait3A_77] : memref<2x128x128xf32, #tpu.memory_space<vmem>> -> memref<1x128x128xf32, #tpu.memory_space<vmem>>
          %dma_wait3A_79 = tpu.memref_squeeze %dma_wait3A_78 : memref<1x128x128xf32, #tpu.memory_space<vmem>> -> memref<128x128xf32, #tpu.memory_space<vmem>>
          %dma_wait3A_80 = arith.constant 0 : i32
          %dma_wait3A_81 = tpu.memref_slice %arg9[%scan3A_44, %dma_wait3A_80] : memref<79x128xi32, #tpu.memory_space<vmem>> -> memref<1x128xi32, #tpu.memory_space<vmem>>
          %dma_wait3A_82 = tpu.memref_squeeze %dma_wait3A_81 : memref<1x128xi32, #tpu.memory_space<vmem>> -> memref<128xi32, #tpu.memory_space<vmem>>
          %dma_wait3A_83 = arith.constant 0 : i32
          %dma_wait3A_84 = arith.constant 0 : i32
          %dma_wait3A_85 = tpu.memref_slice %arg11[%dma_wait3A_83, %dma_wait3A_84] : memref<10240x128xf32, #tpu.memory_space<vmem_shared>> -> memref<10240x128xf32, #tpu.memory_space<vmem_shared>>
          tpu.wait_indirect_dma semaphore(%run_scoped3A_65 : memref<!tpu.dma_semaphore, #tpu.memory_space<semaphore_mem>>) src(%dma_wait3A_79 : memref<128x128xf32, #tpu.memory_space<vmem>>) dst(%dma_wait3A_85 : memref<10240x128xf32, #tpu.memory_space<vmem_shared>>)
          tpu.yield
        }) : () -> ()
      }
      %scan3A_43 = arith.constant 79 : i32
    } else {
    }
    %barrier3A_8 = arith.constant 0 : index
    tpu.barrier barrier_id(%barrier3A_8)
    %mul3A_9 = arith.constant 640 : i32
    %mul3A_10 = arith.muli %arg1, %mul3A_9 : i32
    %mul3A_11 = arith.constant 640 : i32
    %mul3A_12 = arith.muli %arg1, %mul3A_11 : i32
    "tpu.region"() ({
      %run_scoped3A = tpu.sem_alloc : memref<!tpu.dma_semaphore, #tpu.memory_space<semaphore_mem>>
      %dma_start3A = arith.constant 0 : i32
      %dma_start3A_13 = arith.constant 0 : i32
      %dma_start3A_14 = tpu.memref_slice %arg7[%arg0, %dma_start3A, %dma_start3A_13] : memref<2x10240x128xf32, #tpu.memory_space<hbm>> -> memref<1x10240x128xf32, #tpu.memory_space<hbm>>
      %dma_start3A_15 = tpu.memref_squeeze %dma_start3A_14 : memref<1x10240x128xf32, #tpu.memory_space<hbm>> -> memref<10240x128xf32, #tpu.memory_space<hbm>>
      %dma_start3A_16 = arith.constant 0 : i32
      %dma_start3A_17 = tpu.memref_slice %dma_start3A_15[%mul3A_12, %dma_start3A_16] : memref<10240x128xf32, #tpu.memory_space<hbm>> -> memref<640x128xf32, #tpu.memory_space<hbm>>
      %dma_start3A_18 = arith.constant 0 : i32
      %dma_start3A_19 = tpu.memref_slice %arg11[%mul3A_10, %dma_start3A_18] : memref<10240x128xf32, #tpu.memory_space<vmem_shared>> -> memref<640x128xf32, #tpu.memory_space<vmem_shared>>
      tpu.enqueue_dma source(%dma_start3A_19 : memref<640x128xf32, #tpu.memory_space<vmem_shared>>) target(%dma_start3A_17 : memref<640x128xf32, #tpu.memory_space<hbm>>) target_semaphore(%run_scoped3A : memref<!tpu.dma_semaphore, #tpu.memory_space<semaphore_mem>>)
      %dma_wait3A = arith.constant 0 : i32
      %dma_wait3A_20 = arith.constant 0 : i32
      %dma_wait3A_21 = tpu.memref_slice %arg7[%arg0, %dma_wait3A, %dma_wait3A_20] : memref<2x10240x128xf32, #tpu.memory_space<hbm>> -> memref<1x10240x128xf32, #tpu.memory_space<hbm>>
      %dma_wait3A_22 = tpu.memref_squeeze %dma_wait3A_21 : memref<1x10240x128xf32, #tpu.memory_space<hbm>> -> memref<10240x128xf32, #tpu.memory_space<hbm>>
      %dma_wait3A_23 = arith.constant 0 : i32
      %dma_wait3A_24 = tpu.memref_slice %dma_wait3A_22[%mul3A_12, %dma_wait3A_23] : memref<10240x128xf32, #tpu.memory_space<hbm>> -> memref<640x128xf32, #tpu.memory_space<hbm>>
      %dma_wait3A_25 = arith.constant 0 : i32
      %dma_wait3A_26 = tpu.memref_slice %arg11[%mul3A_10, %dma_wait3A_25] : memref<10240x128xf32, #tpu.memory_space<vmem_shared>> -> memref<640x128xf32, #tpu.memory_space<vmem_shared>>
      tpu.wait_dma2 semaphore(%run_scoped3A : memref<!tpu.dma_semaphore, #tpu.memory_space<semaphore_mem>>) src(%dma_wait3A_26 : memref<640x128xf32, #tpu.memory_space<vmem_shared>>) dst(%dma_wait3A_24 : memref<640x128xf32, #tpu.memory_space<hbm>>)
      tpu.yield
    }) : () -> ()
    return
  }
}

module attributes {stable_mosaic.version = 14 : i64} {
  func.func @_t1_body(%arg0: i32, %arg1: memref<2000x256xf32, #tpu.memory_space<vmem>>, %arg2: memref<256x256xf32, #tpu.memory_space<vmem>>, %arg3: memref<2000x2xf32, #tpu.memory_space<vmem>>, %arg4: memref<2000x128xf32, #tpu.memory_space<vmem>>, %arg5: memref<2000x128xf32, #tpu.memory_space<vmem>>) attributes {dimension_semantics = [#tpu.dimension_semantics<arbitrary>], iteration_bounds = array<i64: 5>, scalar_prefetch = 0 : i64, scratch_operands = 0 : i64, tpu.core_type = #tpu.core_type<tc>, window_params = [{transform_indices = @transform_0, window_bounds = array<i64: 2000, 256>}, {pipeline_mode = #tpu.pipeline_mode<synchronous>, transform_indices = @transform_1, window_bounds = array<i64: 256, 256>}, {transform_indices = @transform_2, window_bounds = array<i64: 2000, 2>}, {transform_indices = @transform_3, window_bounds = array<i64: 2000, 128>}, {transform_indices = @transform_4, window_bounds = array<i64: 2000, 128>}]} {
    %get3A = arith.constant 0 : index
    %get3A_0 = arith.constant 0 : index
    %get3A_1 = vector.load %arg1[%get3A, %get3A_0] : memref<2000x256xf32, #tpu.memory_space<vmem>>, vector<2000x256xf32>
    %get3A_2 = arith.constant 0 : index
    %get3A_3 = arith.constant 0 : index
    %get3A_4 = vector.load %arg2[%get3A_2, %get3A_3] : memref<256x256xf32, #tpu.memory_space<vmem>>, vector<256x256xf32>
    %dot_general3A = arith.constant dense<0.000000e+00> : vector<2000x256xf32>
    %dot_general3A_5 = tpu.matmul %get3A_1, %get3A_4, %dot_general3A {dimension_numbers = #tpu.dot_dimension_numbers<[1], [0], [0], [1], [0, 0, 1, 1], [], []>, precision = #tpu.contract_precision<fp32>, transpose_lhs_hint = false} : vector<2000x256xf32>, vector<256x256xf32>, vector<2000x256xf32> -> vector<2000x256xf32>
    %get3A_6 = arith.constant 0 : index
    %get3A_7 = arith.constant 0 : index
    %get3A_8 = vector.load %arg3[%get3A_6, %get3A_7] : memref<2000x2xf32, #tpu.memory_space<vmem>>, vector<2000x2xf32>
    %reduce_sum3A = arith.constant dense<0.000000e+00> : vector<2000xf32>
    %reduce_sum3A_9 = vector.multi_reduction <add>, %get3A_8, %reduce_sum3A [1] : vector<2000x2xf32> to vector<2000xf32>
    %broadcast_in_dim3A = vector.shape_cast %reduce_sum3A_9 : vector<2000xf32> to vector<2000x1xf32>
    %add3A = arith.constant 1.000000e+00 : f32
    %add3A_10 = vector.broadcast %add3A : f32 to vector<2000x1xf32>
    %add3A_11 = arith.addf %broadcast_in_dim3A, %add3A_10 : vector<2000x1xf32>
    %rsqrt3A = math.rsqrt %add3A_11 : vector<2000x1xf32>
    %mul3A = vector.broadcast %rsqrt3A : vector<2000x1xf32> to vector<2000x256xf32>
    %mul3A_12 = arith.mulf %dot_general3A_5, %mul3A : vector<2000x256xf32>
    %slice3A = vector.extract_strided_slice %mul3A_12 {offsets = [0, 0], sizes = [2000, 128], strides = [1, 1]} : vector<2000x256xf32> to vector<2000x128xf32>
    %swap3A = arith.constant 0 : index
    %swap3A_13 = arith.constant 0 : index
    %swap3A_14 = vector.load %arg4[%swap3A, %swap3A_13] : memref<2000x128xf32, #tpu.memory_space<vmem>>, vector<2000x128xf32>
    tpu.vector_store %arg4[%swap3A, %swap3A_13], %slice3A {strides = array<i32>} : memref<2000x128xf32, #tpu.memory_space<vmem>>, vector<2000x128xf32>,
    %slice3A_15 = vector.extract_strided_slice %mul3A_12 {offsets = [0, 128], sizes = [2000, 128], strides = [1, 1]} : vector<2000x256xf32> to vector<2000x128xf32>
    %swap3A_16 = arith.constant 0 : index
    %swap3A_17 = arith.constant 0 : index
    %swap3A_18 = vector.load %arg5[%swap3A_16, %swap3A_17] : memref<2000x128xf32, #tpu.memory_space<vmem>>, vector<2000x128xf32>
    tpu.vector_store %arg5[%swap3A_16, %swap3A_17], %slice3A_15 {strides = array<i32>} : memref<2000x128xf32, #tpu.memory_space<vmem>>, vector<2000x128xf32>,
    return
  }
  func.func @transform_0(%arg0: i32) -> (i32, i32) {
    %c0_i32 = arith.constant 0 : i32
    %c0_i32_0 = arith.constant 0 : i32
    return %arg0, %c0_i32 : i32, i32
  }
  func.func @transform_1(%arg0: i32) -> (i32, i32) {
    %c0_i32 = arith.constant 0 : i32
    %c0_i32_0 = arith.constant 0 : i32
    %c0_i32_1 = arith.constant 0 : i32
    return %c0_i32, %c0_i32_0 : i32, i32
  }
  func.func @transform_2(%arg0: i32) -> (i32, i32) {
    %c0_i32 = arith.constant 0 : i32
    %c0_i32_0 = arith.constant 0 : i32
    return %arg0, %c0_i32 : i32, i32
  }
  func.func @transform_3(%arg0: i32) -> (i32, i32) {
    %c0_i32 = arith.constant 0 : i32
    %c0_i32_0 = arith.constant 0 : i32
    return %arg0, %c0_i32 : i32, i32
  }
  func.func @transform_4(%arg0: i32) -> (i32, i32) {
    %c0_i32 = arith.constant 0 : i32
    %c0_i32_0 = arith.constant 0 : i32
    return %arg0, %c0_i32 : i32, i32
  }
}

module attributes {stable_mosaic.version = 14 : i64} {
  func.func @_t2_body(%arg0: i32, %arg1: memref<1x2000x128xf32, #tpu.memory_space<vmem>>, %arg2: memref<1x2000x128xf32, #tpu.memory_space<vmem>>, %arg3: memref<2000x128xf32, #tpu.memory_space<vmem>>, %arg4: memref<2000x128xf32, #tpu.memory_space<vmem>>, %arg5: memref<2000x2xf32, #tpu.memory_space<vmem>>, %arg6: memref<256xf32, #tpu.memory_space<vmem>>, %arg7: memref<256xf32, #tpu.memory_space<vmem>>, %arg8: memref<256xf32, #tpu.memory_space<vmem>>, %arg9: memref<256x256xf32, #tpu.memory_space<vmem>>, %arg10: memref<2000x128xf32, #tpu.memory_space<vmem>>, %arg11: memref<2000x128xf32, #tpu.memory_space<vmem>>) attributes {dimension_semantics = [#tpu.dimension_semantics<arbitrary>], iteration_bounds = array<i64: 5>, scalar_prefetch = 0 : i64, scratch_operands = 0 : i64, tpu.core_type = #tpu.core_type<tc>, window_params = [{transform_indices = @transform_0, window_bounds = array<i64: 1, 2000, 128>}, {transform_indices = @transform_1, window_bounds = array<i64: 1, 2000, 128>}, {transform_indices = @transform_2, window_bounds = array<i64: 2000, 128>}, {transform_indices = @transform_3, window_bounds = array<i64: 2000, 128>}, {transform_indices = @transform_4, window_bounds = array<i64: 2000, 2>}, {pipeline_mode = #tpu.pipeline_mode<synchronous>, transform_indices = @transform_5, window_bounds = array<i64: 256>}, {pipeline_mode = #tpu.pipeline_mode<synchronous>, transform_indices = @transform_6, window_bounds = array<i64: 256>}, {pipeline_mode = #tpu.pipeline_mode<synchronous>, transform_indices = @transform_7, window_bounds = array<i64: 256>}, {pipeline_mode = #tpu.pipeline_mode<synchronous>, transform_indices = @transform_8, window_bounds = array<i64: 256, 256>}, {transform_indices = @transform_9, window_bounds = array<i64: 2000, 128>}, {transform_indices = @transform_10, window_bounds = array<i64: 2000, 128>}]} {
    %get3A = arith.constant 0 : index
    %get3A_0 = arith.constant 0 : index
    %get3A_1 = vector.load %arg5[%get3A, %get3A_0] : memref<2000x2xf32, #tpu.memory_space<vmem>>, vector<2000x2xf32>
    %reduce_sum3A = arith.constant dense<0.000000e+00> : vector<2000xf32>
    %reduce_sum3A_2 = vector.multi_reduction <add>, %get3A_1, %reduce_sum3A [1] : vector<2000x2xf32> to vector<2000xf32>
    %broadcast_in_dim3A = vector.shape_cast %reduce_sum3A_2 : vector<2000xf32> to vector<2000x1xf32>
    %add3A = arith.constant 1.000000e+00 : f32
    %add3A_3 = vector.broadcast %add3A : f32 to vector<2000x1xf32>
    %add3A_4 = arith.addf %broadcast_in_dim3A, %add3A_3 : vector<2000x1xf32>
    %rsqrt3A = math.rsqrt %add3A_4 : vector<2000x1xf32>
    %get3A_5 = arith.constant 0 : index
    %get3A_6 = arith.constant 0 : index
    %get3A_7 = arith.constant 0 : index
    %get3A_8 = vector.load %arg1[%get3A_5, %get3A_6, %get3A_7] : memref<1x2000x128xf32, #tpu.memory_space<vmem>>, vector<1x2000x128xf32>
    %get3A_9 = vector.shape_cast %get3A_8 : vector<1x2000x128xf32> to vector<2000x128xf32>
    %get3A_10 = arith.constant 0 : index
    %get3A_11 = arith.constant 0 : index
    %get3A_12 = arith.constant 0 : index
    %get3A_13 = vector.load %arg2[%get3A_10, %get3A_11, %get3A_12] : memref<1x2000x128xf32, #tpu.memory_space<vmem>>, vector<1x2000x128xf32>
    %get3A_14 = vector.shape_cast %get3A_13 : vector<1x2000x128xf32> to vector<2000x128xf32>
    %concatenate3A = tpu.concatenate %get3A_9, %get3A_14 in 1 : vector<2000x128xf32>, vector<2000x128xf32> -> vector<2000x256xf32>
    %get3A_15 = arith.constant 0 : index
    %get3A_16 = arith.constant 0 : index
    %get3A_17 = vector.load %arg3[%get3A_15, %get3A_16] : memref<2000x128xf32, #tpu.memory_space<vmem>>, vector<2000x128xf32>
    %get3A_18 = arith.constant 0 : index
    %get3A_19 = arith.constant 0 : index
    %get3A_20 = vector.load %arg4[%get3A_18, %get3A_19] : memref<2000x128xf32, #tpu.memory_space<vmem>>, vector<2000x128xf32>
    %concatenate3A_21 = tpu.concatenate %get3A_17, %get3A_20 in 1 : vector<2000x128xf32>, vector<2000x128xf32> -> vector<2000x256xf32>
    %add3A_22 = arith.addf %concatenate3A, %concatenate3A_21 : vector<2000x256xf32>
    %mul3A = vector.broadcast %rsqrt3A : vector<2000x1xf32> to vector<2000x256xf32>
    %mul3A_23 = arith.mulf %mul3A, %add3A_22 : vector<2000x256xf32>
    %get3A_24 = arith.constant 0 : index
    %get3A_25 = vector.load %arg6[%get3A_24] : memref<256xf32, #tpu.memory_space<vmem>>, vector<256xf32>
    %broadcast_in_dim3A_26 = vector.shape_cast %get3A_25 : vector<256xf32> to vector<1x256xf32>
    %add3A_27 = vector.broadcast %broadcast_in_dim3A_26 : vector<1x256xf32> to vector<2000x256xf32>
    %add3A_28 = arith.addf %mul3A_23, %add3A_27 : vector<2000x256xf32>
    %get3A_29 = arith.constant 0 : index
    %get3A_30 = vector.load %arg7[%get3A_29] : memref<256xf32, #tpu.memory_space<vmem>>, vector<256xf32>
    %get3A_31 = arith.constant 0 : index
    %get3A_32 = vector.load %arg8[%get3A_31] : memref<256xf32, #tpu.memory_space<vmem>>, vector<256xf32>
    %reduce_sum3A_33 = arith.constant dense<0.000000e+00> : vector<2000xf32>
    %reduce_sum3A_34 = vector.multi_reduction <add>, %add3A_28, %reduce_sum3A_33 [1] : vector<2000x256xf32> to vector<2000xf32>
    %broadcast_in_dim3A_35 = vector.shape_cast %reduce_sum3A_34 : vector<2000xf32> to vector<2000x1xf32>
    %div3A = arith.constant 2.560000e+02 : f32
    %div3A_36 = vector.broadcast %div3A : f32 to vector<2000x1xf32>
    %div3A_37 = arith.divf %broadcast_in_dim3A_35, %div3A_36 : vector<2000x1xf32>
    %sub3A = vector.broadcast %div3A_37 : vector<2000x1xf32> to vector<2000x256xf32>
    %sub3A_38 = arith.subf %add3A_28, %sub3A : vector<2000x256xf32>
    %mul3A_39 = arith.mulf %sub3A_38, %sub3A_38 : vector<2000x256xf32>
    %reduce_sum3A_40 = arith.constant dense<0.000000e+00> : vector<2000xf32>
    %reduce_sum3A_41 = vector.multi_reduction <add>, %mul3A_39, %reduce_sum3A_40 [1] : vector<2000x256xf32> to vector<2000xf32>
    %broadcast_in_dim3A_42 = vector.shape_cast %reduce_sum3A_41 : vector<2000xf32> to vector<2000x1xf32>
    %div3A_43 = arith.constant 2.560000e+02 : f32
    %div3A_44 = vector.broadcast %div3A_43 : f32 to vector<2000x1xf32>
    %div3A_45 = arith.divf %broadcast_in_dim3A_42, %div3A_44 : vector<2000x1xf32>
    %add3A_46 = arith.constant 9.99999974E-6 : f32
    %add3A_47 = vector.broadcast %add3A_46 : f32 to vector<2000x1xf32>
    %add3A_48 = arith.addf %div3A_45, %add3A_47 : vector<2000x1xf32>
    %rsqrt3A_49 = math.rsqrt %add3A_48 : vector<2000x1xf32>
    %mul3A_50 = vector.broadcast %rsqrt3A_49 : vector<2000x1xf32> to vector<2000x256xf32>
    %mul3A_51 = arith.mulf %sub3A_38, %mul3A_50 : vector<2000x256xf32>
    %broadcast_in_dim3A_52 = vector.shape_cast %get3A_30 : vector<256xf32> to vector<1x256xf32>
    %mul3A_53 = vector.broadcast %broadcast_in_dim3A_52 : vector<1x256xf32> to vector<2000x256xf32>
    %mul3A_54 = arith.mulf %mul3A_51, %mul3A_53 : vector<2000x256xf32>
    %broadcast_in_dim3A_55 = vector.shape_cast %get3A_32 : vector<256xf32> to vector<1x256xf32>
    %add3A_56 = vector.broadcast %broadcast_in_dim3A_55 : vector<1x256xf32> to vector<2000x256xf32>
    %add3A_57 = arith.addf %mul3A_54, %add3A_56 : vector<2000x256xf32>
    %mul3A_58 = arith.constant 5.000000e-01 : f32
    %mul3A_59 = vector.broadcast %mul3A_58 : f32 to vector<2000x256xf32>
    %mul3A_60 = arith.mulf %mul3A_59, %add3A_57 : vector<2000x256xf32>
    %mul3A_61 = arith.constant 0.707106769 : f32
    %mul3A_62 = vector.broadcast %mul3A_61 : f32 to vector<2000x256xf32>
    %mul3A_63 = arith.mulf %add3A_57, %mul3A_62 : vector<2000x256xf32>
    %erf3A = math.erf %mul3A_63 : vector<2000x256xf32>
    %add3A_64 = arith.constant 1.000000e+00 : f32
    %add3A_65 = vector.broadcast %add3A_64 : f32 to vector<2000x256xf32>
    %add3A_66 = arith.addf %add3A_65, %erf3A : vector<2000x256xf32>
    %mul3A_67 = arith.mulf %mul3A_60, %add3A_66 : vector<2000x256xf32>
    %get3A_68 = arith.constant 0 : index
    %get3A_69 = arith.constant 0 : index
    %get3A_70 = vector.load %arg9[%get3A_68, %get3A_69] : memref<256x256xf32, #tpu.memory_space<vmem>>, vector<256x256xf32>
    %dot_general3A = arith.constant dense<0.000000e+00> : vector<2000x256xf32>
    %dot_general3A_71 = tpu.matmul %mul3A_67, %get3A_70, %dot_general3A {dimension_numbers = #tpu.dot_dimension_numbers<[1], [0], [0], [1], [0, 0, 1, 1], [], []>, precision = #tpu.contract_precision<fp32>, transpose_lhs_hint = false} : vector<2000x256xf32>, vector<256x256xf32>, vector<2000x256xf32> -> vector<2000x256xf32>
    %mul3A_72 = vector.broadcast %rsqrt3A : vector<2000x1xf32> to vector<2000x256xf32>
    %mul3A_73 = arith.mulf %dot_general3A_71, %mul3A_72 : vector<2000x256xf32>
    %slice3A = vector.extract_strided_slice %mul3A_73 {offsets = [0, 0], sizes = [2000, 128], strides = [1, 1]} : vector<2000x256xf32> to vector<2000x128xf32>
    %swap3A = arith.constant 0 : index
    %swap3A_74 = arith.constant 0 : index
    %swap3A_75 = vector.load %arg10[%swap3A, %swap3A_74] : memref<2000x128xf32, #tpu.memory_space<vmem>>, vector<2000x128xf32>
    tpu.vector_store %arg10[%swap3A, %swap3A_74], %slice3A {strides = array<i32>} : memref<2000x128xf32, #tpu.memory_space<vmem>>, vector<2000x128xf32>,
    %slice3A_76 = vector.extract_strided_slice %mul3A_73 {offsets = [0, 128], sizes = [2000, 128], strides = [1, 1]} : vector<2000x256xf32> to vector<2000x128xf32>
    %swap3A_77 = arith.constant 0 : index
    %swap3A_78 = arith.constant 0 : index
    %swap3A_79 = vector.load %arg11[%swap3A_77, %swap3A_78] : memref<2000x128xf32, #tpu.memory_space<vmem>>, vector<2000x128xf32>
    tpu.vector_store %arg11[%swap3A_77, %swap3A_78], %slice3A_76 {strides = array<i32>} : memref<2000x128xf32, #tpu.memory_space<vmem>>, vector<2000x128xf32>,
    return
  }
  func.func @transform_0(%arg0: i32) -> (i32, i32, i32) {
    %c0_i32 = arith.constant 0 : i32
    %c0_i32_0 = arith.constant 0 : i32
    %c0_i32_1 = arith.constant 0 : i32
    return %c0_i32, %arg0, %c0_i32_0 : i32, i32, i32
  }
  func.func @transform_1(%arg0: i32) -> (i32, i32, i32) {
    %c1_i32 = arith.constant 1 : i32
    %c0_i32 = arith.constant 0 : i32
    %c0_i32_0 = arith.constant 0 : i32
    return %c1_i32, %arg0, %c0_i32 : i32, i32, i32
  }
  func.func @transform_2(%arg0: i32) -> (i32, i32) {
    %c0_i32 = arith.constant 0 : i32
    %c0_i32_0 = arith.constant 0 : i32
    return %arg0, %c0_i32 : i32, i32
  }
  func.func @transform_3(%arg0: i32) -> (i32, i32) {
    %c0_i32 = arith.constant 0 : i32
    %c0_i32_0 = arith.constant 0 : i32
    return %arg0, %c0_i32 : i32, i32
  }
  func.func @transform_4(%arg0: i32) -> (i32, i32) {
    %c0_i32 = arith.constant 0 : i32
    %c0_i32_0 = arith.constant 0 : i32
    return %arg0, %c0_i32 : i32, i32
  }
  func.func @transform_5(%arg0: i32) -> i32 {
    %c0_i32 = arith.constant 0 : i32
    %c0_i32_0 = arith.constant 0 : i32
    return %c0_i32 : i32
  }
  func.func @transform_6(%arg0: i32) -> i32 {
    %c0_i32 = arith.constant 0 : i32
    %c0_i32_0 = arith.constant 0 : i32
    return %c0_i32 : i32
  }
  func.func @transform_7(%arg0: i32) -> i32 {
    %c0_i32 = arith.constant 0 : i32
    %c0_i32_0 = arith.constant 0 : i32
    return %c0_i32 : i32
  }
  func.func @transform_8(%arg0: i32) -> (i32, i32) {
    %c0_i32 = arith.constant 0 : i32
    %c0_i32_0 = arith.constant 0 : i32
    %c0_i32_1 = arith.constant 0 : i32
    return %c0_i32, %c0_i32_0 : i32, i32
  }
  func.func @transform_9(%arg0: i32) -> (i32, i32) {
    %c0_i32 = arith.constant 0 : i32
    %c0_i32_0 = arith.constant 0 : i32
    return %arg0, %c0_i32 : i32, i32
  }
  func.func @transform_10(%arg0: i32) -> (i32, i32) {
    %c0_i32 = arith.constant 0 : i32
    %c0_i32_0 = arith.constant 0 : i32
    return %arg0, %c0_i32 : i32, i32
  }
}

module attributes {stable_mosaic.version = 14 : i64} {
  func.func @_t3_body(%arg0: i32, %arg1: memref<1x2000x128xf32, #tpu.memory_space<vmem>>, %arg2: memref<1x2000x128xf32, #tpu.memory_space<vmem>>, %arg3: memref<2000x128xf32, #tpu.memory_space<vmem>>, %arg4: memref<2000x128xf32, #tpu.memory_space<vmem>>, %arg5: memref<2000x2xf32, #tpu.memory_space<vmem>>, %arg6: memref<256xf32, #tpu.memory_space<vmem>>, %arg7: memref<256xf32, #tpu.memory_space<vmem>>, %arg8: memref<256xf32, #tpu.memory_space<vmem>>, %arg9: memref<2000x256xf32, #tpu.memory_space<vmem>>, %arg10: memref<2000x256xf32, #tpu.memory_space<vmem>>) attributes {dimension_semantics = [#tpu.dimension_semantics<arbitrary>], iteration_bounds = array<i64: 5>, scalar_prefetch = 0 : i64, scratch_operands = 0 : i64, tpu.core_type = #tpu.core_type<tc>, window_params = [{transform_indices = @transform_0, window_bounds = array<i64: 1, 2000, 128>}, {transform_indices = @transform_1, window_bounds = array<i64: 1, 2000, 128>}, {transform_indices = @transform_2, window_bounds = array<i64: 2000, 128>}, {transform_indices = @transform_3, window_bounds = array<i64: 2000, 128>}, {transform_indices = @transform_4, window_bounds = array<i64: 2000, 2>}, {pipeline_mode = #tpu.pipeline_mode<synchronous>, transform_indices = @transform_5, window_bounds = array<i64: 256>}, {pipeline_mode = #tpu.pipeline_mode<synchronous>, transform_indices = @transform_6, window_bounds = array<i64: 256>}, {pipeline_mode = #tpu.pipeline_mode<synchronous>, transform_indices = @transform_7, window_bounds = array<i64: 256>}, {transform_indices = @transform_8, window_bounds = array<i64: 2000, 256>}, {transform_indices = @transform_9, window_bounds = array<i64: 2000, 256>}]} {
    %get3A = arith.constant 0 : index
    %get3A_0 = arith.constant 0 : index
    %get3A_1 = vector.load %arg5[%get3A, %get3A_0] : memref<2000x2xf32, #tpu.memory_space<vmem>>, vector<2000x2xf32>
    %reduce_sum3A = arith.constant dense<0.000000e+00> : vector<2000xf32>
    %reduce_sum3A_2 = vector.multi_reduction <add>, %get3A_1, %reduce_sum3A [1] : vector<2000x2xf32> to vector<2000xf32>
    %broadcast_in_dim3A = vector.shape_cast %reduce_sum3A_2 : vector<2000xf32> to vector<2000x1xf32>
    %add3A = arith.constant 1.000000e+00 : f32
    %add3A_3 = vector.broadcast %add3A : f32 to vector<2000x1xf32>
    %add3A_4 = arith.addf %broadcast_in_dim3A, %add3A_3 : vector<2000x1xf32>
    %rsqrt3A = math.rsqrt %add3A_4 : vector<2000x1xf32>
    %get3A_5 = arith.constant 0 : index
    %get3A_6 = arith.constant 0 : index
    %get3A_7 = arith.constant 0 : index
    %get3A_8 = vector.load %arg1[%get3A_5, %get3A_6, %get3A_7] : memref<1x2000x128xf32, #tpu.memory_space<vmem>>, vector<1x2000x128xf32>
    %get3A_9 = vector.shape_cast %get3A_8 : vector<1x2000x128xf32> to vector<2000x128xf32>
    %get3A_10 = arith.constant 0 : index
    %get3A_11 = arith.constant 0 : index
    %get3A_12 = arith.constant 0 : index
    %get3A_13 = vector.load %arg2[%get3A_10, %get3A_11, %get3A_12] : memref<1x2000x128xf32, #tpu.memory_space<vmem>>, vector<1x2000x128xf32>
    %get3A_14 = vector.shape_cast %get3A_13 : vector<1x2000x128xf32> to vector<2000x128xf32>
    %concatenate3A = tpu.concatenate %get3A_9, %get3A_14 in 1 : vector<2000x128xf32>, vector<2000x128xf32> -> vector<2000x256xf32>
    %get3A_15 = arith.constant 0 : index
    %get3A_16 = arith.constant 0 : index
    %get3A_17 = vector.load %arg3[%get3A_15, %get3A_16] : memref<2000x128xf32, #tpu.memory_space<vmem>>, vector<2000x128xf32>
    %get3A_18 = arith.constant 0 : index
    %get3A_19 = arith.constant 0 : index
    %get3A_20 = vector.load %arg4[%get3A_18, %get3A_19] : memref<2000x128xf32, #tpu.memory_space<vmem>>, vector<2000x128xf32>
    %concatenate3A_21 = tpu.concatenate %get3A_17, %get3A_20 in 1 : vector<2000x128xf32>, vector<2000x128xf32> -> vector<2000x256xf32>
    %add3A_22 = arith.addf %concatenate3A, %concatenate3A_21 : vector<2000x256xf32>
    %mul3A = vector.broadcast %rsqrt3A : vector<2000x1xf32> to vector<2000x256xf32>
    %mul3A_23 = arith.mulf %mul3A, %add3A_22 : vector<2000x256xf32>
    %get3A_24 = arith.constant 0 : index
    %get3A_25 = vector.load %arg6[%get3A_24] : memref<256xf32, #tpu.memory_space<vmem>>, vector<256xf32>
    %broadcast_in_dim3A_26 = vector.shape_cast %get3A_25 : vector<256xf32> to vector<1x256xf32>
    %add3A_27 = vector.broadcast %broadcast_in_dim3A_26 : vector<1x256xf32> to vector<2000x256xf32>
    %add3A_28 = arith.addf %mul3A_23, %add3A_27 : vector<2000x256xf32>
    %get3A_29 = arith.constant 0 : index
    %get3A_30 = vector.load %arg7[%get3A_29] : memref<256xf32, #tpu.memory_space<vmem>>, vector<256xf32>
    %get3A_31 = arith.constant 0 : index
    %get3A_32 = vector.load %arg8[%get3A_31] : memref<256xf32, #tpu.memory_space<vmem>>, vector<256xf32>
    %reduce_sum3A_33 = arith.constant dense<0.000000e+00> : vector<2000xf32>
    %reduce_sum3A_34 = vector.multi_reduction <add>, %add3A_28, %reduce_sum3A_33 [1] : vector<2000x256xf32> to vector<2000xf32>
    %broadcast_in_dim3A_35 = vector.shape_cast %reduce_sum3A_34 : vector<2000xf32> to vector<2000x1xf32>
    %div3A = arith.constant 2.560000e+02 : f32
    %div3A_36 = vector.broadcast %div3A : f32 to vector<2000x1xf32>
    %div3A_37 = arith.divf %broadcast_in_dim3A_35, %div3A_36 : vector<2000x1xf32>
    %sub3A = vector.broadcast %div3A_37 : vector<2000x1xf32> to vector<2000x256xf32>
    %sub3A_38 = arith.subf %add3A_28, %sub3A : vector<2000x256xf32>
    %mul3A_39 = arith.mulf %sub3A_38, %sub3A_38 : vector<2000x256xf32>
    %reduce_sum3A_40 = arith.constant dense<0.000000e+00> : vector<2000xf32>
    %reduce_sum3A_41 = vector.multi_reduction <add>, %mul3A_39, %reduce_sum3A_40 [1] : vector<2000x256xf32> to vector<2000xf32>
    %broadcast_in_dim3A_42 = vector.shape_cast %reduce_sum3A_41 : vector<2000xf32> to vector<2000x1xf32>
    %div3A_43 = arith.constant 2.560000e+02 : f32
    %div3A_44 = vector.broadcast %div3A_43 : f32 to vector<2000x1xf32>
    %div3A_45 = arith.divf %broadcast_in_dim3A_42, %div3A_44 : vector<2000x1xf32>
    %add3A_46 = arith.constant 9.99999974E-6 : f32
    %add3A_47 = vector.broadcast %add3A_46 : f32 to vector<2000x1xf32>
    %add3A_48 = arith.addf %div3A_45, %add3A_47 : vector<2000x1xf32>
    %rsqrt3A_49 = math.rsqrt %add3A_48 : vector<2000x1xf32>
    %mul3A_50 = vector.broadcast %rsqrt3A_49 : vector<2000x1xf32> to vector<2000x256xf32>
    %mul3A_51 = arith.mulf %sub3A_38, %mul3A_50 : vector<2000x256xf32>
    %broadcast_in_dim3A_52 = vector.shape_cast %get3A_30 : vector<256xf32> to vector<1x256xf32>
    %mul3A_53 = vector.broadcast %broadcast_in_dim3A_52 : vector<1x256xf32> to vector<2000x256xf32>
    %mul3A_54 = arith.mulf %mul3A_51, %mul3A_53 : vector<2000x256xf32>
    %broadcast_in_dim3A_55 = vector.shape_cast %get3A_32 : vector<256xf32> to vector<1x256xf32>
    %add3A_56 = vector.broadcast %broadcast_in_dim3A_55 : vector<1x256xf32> to vector<2000x256xf32>
    %add3A_57 = arith.addf %mul3A_54, %add3A_56 : vector<2000x256xf32>
    %get3A_58 = arith.constant 0 : index
    %get3A_59 = arith.constant 0 : index
    %get3A_60 = vector.load %arg9[%get3A_58, %get3A_59] : memref<2000x256xf32, #tpu.memory_space<vmem>>, vector<2000x256xf32>
    %add3A_61 = arith.addf %add3A_57, %get3A_60 : vector<2000x256xf32>
    %mul3A_62 = arith.constant 5.000000e-01 : f32
    %mul3A_63 = vector.broadcast %mul3A_62 : f32 to vector<2000x256xf32>
    %mul3A_64 = arith.mulf %mul3A_63, %add3A_61 : vector<2000x256xf32>
    %mul3A_65 = arith.constant 0.707106769 : f32
    %mul3A_66 = vector.broadcast %mul3A_65 : f32 to vector<2000x256xf32>
    %mul3A_67 = arith.mulf %add3A_61, %mul3A_66 : vector<2000x256xf32>
    %erf3A = math.erf %mul3A_67 : vector<2000x256xf32>
    %add3A_68 = arith.constant 1.000000e+00 : f32
    %add3A_69 = vector.broadcast %add3A_68 : f32 to vector<2000x256xf32>
    %add3A_70 = arith.addf %add3A_69, %erf3A : vector<2000x256xf32>
    %mul3A_71 = arith.mulf %mul3A_64, %add3A_70 : vector<2000x256xf32>
    %swap3A = arith.constant 0 : index
    %swap3A_72 = arith.constant 0 : index
    %swap3A_73 = vector.load %arg10[%swap3A, %swap3A_72] : memref<2000x256xf32, #tpu.memory_space<vmem>>, vector<2000x256xf32>
    tpu.vector_store %arg10[%swap3A, %swap3A_72], %mul3A_71 {strides = array<i32>} : memref<2000x256xf32, #tpu.memory_space<vmem>>, vector<2000x256xf32>,
    return
  }
  func.func @transform_0(%arg0: i32) -> (i32, i32, i32) {
    %c0_i32 = arith.constant 0 : i32
    %c0_i32_0 = arith.constant 0 : i32
    %c0_i32_1 = arith.constant 0 : i32
    return %c0_i32, %arg0, %c0_i32_0 : i32, i32, i32
  }
  func.func @transform_1(%arg0: i32) -> (i32, i32, i32) {
    %c1_i32 = arith.constant 1 : i32
    %c0_i32 = arith.constant 0 : i32
    %c0_i32_0 = arith.constant 0 : i32
    return %c1_i32, %arg0, %c0_i32 : i32, i32, i32
  }
  func.func @transform_2(%arg0: i32) -> (i32, i32) {
    %c0_i32 = arith.constant 0 : i32
    %c0_i32_0 = arith.constant 0 : i32
    return %arg0, %c0_i32 : i32, i32
  }
  func.func @transform_3(%arg0: i32) -> (i32, i32) {
    %c0_i32 = arith.constant 0 : i32
    %c0_i32_0 = arith.constant 0 : i32
    return %arg0, %c0_i32 : i32, i32
  }
  func.func @transform_4(%arg0: i32) -> (i32, i32) {
    %c0_i32 = arith.constant 0 : i32
    %c0_i32_0 = arith.constant 0 : i32
    return %arg0, %c0_i32 : i32, i32
  }
  func.func @transform_5(%arg0: i32) -> i32 {
    %c0_i32 = arith.constant 0 : i32
    %c0_i32_0 = arith.constant 0 : i32
    return %c0_i32 : i32
  }
  func.func @transform_6(%arg0: i32) -> i32 {
    %c0_i32 = arith.constant 0 : i32
    %c0_i32_0 = arith.constant 0 : i32
    return %c0_i32 : i32
  }
  func.func @transform_7(%arg0: i32) -> i32 {
    %c0_i32 = arith.constant 0 : i32
    %c0_i32_0 = arith.constant 0 : i32
    return %c0_i32 : i32
  }
  func.func @transform_8(%arg0: i32) -> (i32, i32) {
    %c0_i32 = arith.constant 0 : i32
    %c0_i32_0 = arith.constant 0 : i32
    return %arg0, %c0_i32 : i32, i32
  }
  func.func @transform_9(%arg0: i32) -> (i32, i32) {
    %c0_i32 = arith.constant 0 : i32
    %c0_i32_0 = arith.constant 0 : i32
    return %arg0, %c0_i32 : i32, i32
  }
}

</mosaic_0001>

<sc_bundles>
// kernel: kernel.11.cloned.1.call-start
scs
__scs_entry_jumppad:
0x0: {  	(pc) =	sbr.rel $0x88, $3  }
0x1: {  	(tag) =	ssettag $0x0;
	lr =	simm.s32 $0x1  }
0x2: {  	[smem:$0x3F97] =	sst lr;
	_ =	strace $0xD0000000  }
0x3: {  	_ = 	snop  }
0x4: {  	_ = 	snop  }
0x5: {  	_ = 	snop  }
0x6: {  	_ = 	snop  }
0x7: {  	_ = 	snop  }
__scs_overlays_trampoline_lowered:
0x8: {  	[smem:$0x3FA6] =	sst s0  }
0x9: {  	[smem:$0x3FA7] =	sst s1  }
0xa: {  	[smem:$0x3FA8] =	sst s2  }
0xb: {  	[smem:$0x3FA9] =	sst s3  }
0xc: {  	[smem:$0x3FAA] =	sst s4  }
0xd: {  	[smem:$0x3FAB] =	sst s5  }
0xe: {  	[smem:$0x3FAC] =	sst s6  }
0xf: {  	[smem:$0x3FAD] =	sst s7  }
0x10: {  	[smem:$0x3FAE] =	sst s8  }
0x11: {  	[smem:$0x3FAF] =	sst s9;
	s0 =	simm.s32 @!p0 $0x0  }
0x12: {  	s1 =	sld [smem:$0x3F95];
	s0 =	simm.s32 @p0 $0x1  }
0x13: {  	[smem:$0x3FB0] =	sst s0;
	s0 =	simm.s32 @!p1 $0x0  }
0x14: {  	s2 =	sld [smem:$0x3F94];
	s0 =	simm.s32 @p1 $0x1  }
0x15: {  	[smem:$0x3FB1] =	sst s0;
	s0 =	simm.s32 @!p2 $0x0  }
0x16: {  	s3 =	sld [smem:$0x3FDB];
	s0 =	simm.s32 @p2 $0x1  }
0x17: {  	s4 =	simm.s32 $0x1BF5;
	[smem:$0x3FB3] =	sst s0  }
0x18: {  	s0 =	sld [smem:$0x3F96];
	_ =	swait.ge [sflag:s4], $0x0  }
0x19: {  	s7 =	sld [smem:$0x3F97]  }
0x1a: {  	s8 =	sadd.s32 $0xFFFFE003, lr  }
0x1b: {  	s9 =	sadd.s32 $0xFFFFFEF7, lr;
	s5 =	simm.s32 $0xFFFFFFFF;
	p2 =	slt.u32 s8, $0xFFFFF086  }
0x1c: {  	p1 =	slt.u32 s9, $0xF7A;
	s5 =	simm.s32 @!p2 $0x0  }
0x1d: {  	s5 =	simm.s32 @p1 $0x1;
	p0 =	seq.s32 s7, s2  }
0x1e: {  	s7 =	smul.u32 @!p0 $0xF7A, s2;
	p2 =	seq.s32 @!p0 s5, $0x0  }
0x1f: {  	s9 =	smul.u32 $0xF7A, s1;
	s8 =	simm.s32 @!p0 $0x1BF5;
	p2 =	por !p2, p0  }
0x20: {  	[sflag:s8] =	ssyncset.s32 @!p0 $0xFFFFF086;
	s6 =	sadd.s32 @!p0 s3, s7;
	s7 =	simm.s32 @!p0 $0x108  }
0x21: {  	s3 =	sadd.s32 s3, s9;
	s6 =	sadd.s32 @!p0 $0x88, s6;
	s7 =	simm.s32 @p2 $0x1082  }
0x22: {  	[simem:s7], [sflag:s8] =	dma.local @!p0 [hbm:s6], $0xF7A  }
0x23: {  	s9 =	sor.u32 $0xD0000000, s2;
	s6 =	simm.s32 $0x108;
	_ =	swait.ge @!p0 [sflag:s8], $0x0  }
0x24: {  	s3 =	sadd.s32 $0x88, s3;
	s6 =	simm.s32 @!p1 $0x1082;
	[sflag:s4] =	ssyncset.s32 $0xFFFFF086  }
0x25: {  	[simem:s6], [sflag:s4] =	dma.local [hbm:s3], $0xF7A  }
0x26: {  	[smem:$0x3F97] =	sst s1;
	(tag) =	ssettag s2;
	_ =	strace s9  }
0x27: {  	s1 =	sld [smem:$0x3FA7]  }
0x28: {  	s2 =	sld [smem:$0x3FA8]  }
0x29: {  	s4 =	sld [smem:$0x3FAA]  }
0x2a: {  	p0 =	seq.s32 s5, $0x0;
	s5 =	sld [smem:$0x3FAB]  }
0x2b: {  	s6 =	sld [smem:$0x3FAC]  }
0x2c: {  	s7 =	sld [smem:$0x3FAD]  }
0x2d: {  	s3 =	simm.s32 $0x108;
	s8 =	sld [smem:$0x3FAE]  }
0x2e: {  	s3 =	simm.s32 @!p0 $0x1082;
	s9 =	sld [smem:$0x3FAF]  }
0x2f: {  	lr =	sadd.s32 s0, s3;
	s0 =	sld [smem:$0x3FA6]  }
0x30: {  	s3 =	sld [smem:$0x3FA9]  }
0x31: {  	[smem:$0x3FB2] =	sst s10  }
0x32: {  	s10 =	sld [smem:$0x3FB0];
	_ =	sdelay $0x3  }
0x33: {  	p0 =	seq.s32 s10, $0x1;
	s10 =	sld [smem:$0x3FB2];
	_ =	sdelay $0x3  }
0x34: {  	[smem:$0x3FB2] =	sst s10  }
0x35: {  	s10 =	sld [smem:$0x3FB1];
	_ =	sdelay $0x3  }
0x36: {  	p1 =	seq.s32 s10, $0x1;
	s10 =	sld [smem:$0x3FB2];
	_ =	sdelay $0x3  }
0x37: {  	[smem:$0x3FB2] =	sst s10  }
0x38: {  	s10 =	sld [smem:$0x3FB3]  }
0x39: {  	_ = 	snop;
	(pc) =	sbr.ind lr, $3  }
0x3a: {  	_ = 	snop  }
0x3b: {  	_ = 	snop  }
0x3c: {  	p2 =	seq.s32 s10, $0x1;
	s10 =	sld [smem:$0x3FB2]  }
0x3d: {  	_ =	shalt  }
0x3e: {  	_ =	shalt  }
0x3f: {  	_ =	shalt  }
0x40: {  	_ =	shalt  }
0x41: {  	_ =	shalt  }
0x42: {  	_ =	shalt  }
0x43: {  	_ =	shalt  }
0x44: {  	_ =	shalt  }
0x45: {  	_ =	shalt  }
0x46: {  	_ =	shalt  }
0x47: {  	_ =	shalt  }
0x48: {  	_ =	shalt  }
0x49: {  	_ =	shalt  }
0x4a: {  	_ =	shalt  }
0x4b: {  	_ =	shalt  }
0x4c: {  	_ =	shalt  }
0x4d: {  	_ =	shalt  }
0x4e: {  	_ =	shalt  }
0x4f: {  	_ =	shalt  }
0x50: {  	_ =	shalt  }
0x51: {  	_ =	shalt  }
0x52: {  	_ =	shalt  }
0x53: {  	_ =	shalt  }
0x54: {  	_ =	shalt  }
0x55: {  	_ =	shalt  }
0x56: {  	_ =	shalt  }
0x57: {  	_ =	shalt  }
0x58: {  	_ =	shalt  }
0x59: {  	_ =	shalt  }
0x5a: {  	_ =	shalt  }
0x5b: {  	_ =	shalt  }
0x5c: {  	_ =	shalt  }
0x5d: {  	_ =	shalt  }
0x5e: {  	_ =	shalt  }
0x5f: {  	_ =	shalt  }
0x60: {  	_ =	shalt  }
0x61: {  	_ =	shalt  }
0x62: {  	_ =	shalt  }
0x63: {  	_ =	shalt  }
0x64: {  	_ =	shalt  }
0x65: {  	_ =	shalt  }
0x66: {  	_ =	shalt  }
0x67: {  	_ =	shalt  }
0x68: {  	_ =	shalt  }
0x69: {  	_ =	shalt  }
0x6a: {  	_ =	shalt  }
0x6b: {  	_ =	shalt  }
0x6c: {  	_ =	shalt  }
0x6d: {  	_ =	shalt  }
0x6e: {  	_ =	shalt  }
0x6f: {  	_ =	shalt  }
0x70: {  	_ =	shalt  }
0x71: {  	_ =	shalt  }
0x72: {  	_ =	shalt  }
0x73: {  	_ =	shalt  }
0x74: {  	_ =	shalt  }
0x75: {  	_ =	shalt  }
0x76: {  	_ =	shalt  }
0x77: {  	_ =	shalt  }
0x78: {  	_ =	shalt  }
0x79: {  	_ =	shalt  }
0x7a: {  	_ =	shalt  }
0x7b: {  	_ =	shalt  }
0x7c: {  	_ =	shalt  }
0x7d: {  	_ =	shalt  }
0x7e: {  	_ =	shalt  }
0x7f: {  	_ =	shalt  }
0x80: {  	_ =	shalt  }
0x81: {  	_ =	shalt  }
0x82: {  	_ =	shalt  }
0x83: {  	_ =	shalt  }
0x84: {  	_ =	shalt  }
0x85: {  	_ =	shalt  }
0x86: {  	_ =	shalt  }
0x87: {  	_ =	shalt  }
.Lfunc_end0:
.L_simem_size_0:
called_computation.1_lowered:
.L_overlay_start_0:
0x88: {  	s2 =	sld [smem:$0x3FD9]  }
0x89: {  	s3 =	sld [smem:$0x3FFE];
	_ =	sdelay $0x1  }
0x8a: {  	s1 =	srdreg.scid  }
0x8b: {  	s0 =	sand.u32 $0x1, s1  }
0x8c: {  	s16 =	sshll.u32 s0, $0xA;
	s2 =	sadd.s32 s3, s2  }
0x8d: {  	s2 =	sadd.s32 s2, s16  }
0x8e: {  	[smem:$0x3FBE] =	sst s2  }
0x8f: {  	_ = 	snop  }
0x90: {  	(tm) =	ssettm $0x1  }
0x91: {  	s17 =	sld [smem:$0x3FFB];
	_ =	sdelay $0x3  }
0x92: {  	_ =	strace s17  }
0x93: {  	s2 =	sld [smem:$0x3FFC];
	_ =	sdelay $0x3  }
0x94: {  	_ =	strace s2  }
0x95: {  	s2 =	sld [smem:$0x3FFD];
	_ =	sdelay $0x3  }
0x96: {  	_ =	strace s2  }
0x97: {  	_ =	strace $0x8FFFFFFF  }
0x98: {  	s18 =	sld [smem:$0x3FDB];
	_ =	sdelay $0x1  }
0x99: {  	s19 =	simm.s32 $_scs_section_size  }
0x9a: {  	s4 =	simm.s32 $_size__tile_overlayer_lowered;
	s5 =	simm.s32 $_tile_overlayer_lowered  }
0x9b: {  	s22 =	simm.s32 $0x1BFF;
	s21 =	sshll.u32 s5, $0x1;
	s2 =	sadd.s32 s19, s18  }
0x9c: {  	s6 =	simm.s32 $0x0;
	s20 =	sshll.u32 s4, $0x1;
	s4 =	sadd.s32 s21, s2  }
0x9d: {  	[timem:s6], [sflag:s22] =	dma.local [hbm:s4], s20  }
0x9e: {  	_ =	swait.ge [sflag:s22], s20  }
0x9f: {  	s3 =	ssub.s32 $0x0, s20;
	[sflag:s22] =	ssyncset.done $0x0  }
0xa0: {  	[sflag:s22] =	ssyncadd.s32 s3;
	_ =	sdelay $0x1  }
0xa1: {  	s23 =	simm.s32 $0x1B8B  }
0xa2: {  	_ =	swait.ge [sflag:s23], $0x1  }
0xa3: {  	[sflag:s23] =	ssyncset.done $0x0  }
0xa4: {  	s25 =	simm.s32 $0x1B8E;
	s24 =	sld [smem:$0x3FFE];
	[sflag:s23] =	ssyncadd.s32 $0xFFFFFFFF  }
0xa5: {  	s26 =	simm.s32 $execute0_lowered;
	[smem:$0x3FD2] =	sst s25  }
0xa6: {  	s4 =	sshll.u32 s26, $0x1;
	_ =	strace $0x80000049;
	[dreg:$0x1] =	wrdreg $0xFFFFFFFF  }
0xa7: {  	s28 =	simm.s32 $_size_execute0_lowered;
	s2 =	sadd.s32 s2, s4;
	[dreg:$0x0] =	wrdreg $0x0  }
0xa8: {  	s4 =	sshll.u32 s28, $0x1;
	[dreg:$0x2] =	wrdreg s2  }
0xa9: {  	[dreg:$0x3] =	wrdreg s4  }
0xaa: {  	[dreg:$0x4] =	wrdreg $0xC0  }
0xab: {  	_ =	task [dreg:s6], $0x5FFFF  }
0xac: {  	[dreg:$0x1] =	wrdreg $0xFFFFFFFF  }
0xad: {  	[dreg:$0x0] =	wrdreg $0x60  }
0xae: {  	[dreg:$0x2] =	wrdreg s24  }
0xaf: {  	[dreg:$0x3] =	wrdreg $0xA9000  }
0xb0: {  	[dreg:$0x4] =	wrdreg $0x9  }
0xb1: {  	_ =	task.clear_ibuf [dreg:s6], $0x5FFFF;
	_ =	strace $0x90000049  }
0xb2: {  	s29 =	simm.s32 $0x9;
	_ =	strace $0x8000004B  }
0xb3: {  	_ =	swait.ge [sflag:s29], $0x1  }
0xb4: {  	[sflag:s29] =	ssyncadd.s32 $0xFFFFFFFF  }
0xb5: {  	_ =	strace $0x9000004B  }
0xb6: {  	_ =	sfence  }
0xb7: {  	s30 =	sld [smem:$0x0];
	_ =	sdelay $0x2  }
0xb8: {  	s31 =	sshll.u32 s1, $0xD;
	s1 =	sshrl.u32 s1, $0x2  }
0xb9: {  	s3 =	sand.u32 $0x4000, s31;
	s1 =	sadd.s32 s1, s30  }
0xba: {  	s0 =	sor.u32 s3, s0;
	s1 =	sshll.u32 s1, $0x11  }
0xbb: {  	s0 =	sor.u32 s1, s0  }
0xbc: {  	s0 =	sadd.s32 $0x8F2B, s0  }
0xbd: {  	[sflag:s0] =	ssyncadd.remote.s32 $0x1  }
0xbe: {  	_ =	sfence.sel $0xFFFF  }
0xbf: {  	[dreg:$0x0] =	wrdreg $0xFFFFFFFF;
	(pc) =	sbr.abs _section_cstart, $3  }
0xc0: {  	[dreg:$0x1] =	wrdreg $0xFFFFFFFF  }
0xc1: {  	_ =	task.clear_ibuf [dreg:s6], $0x2FFFF;
	_ =	strace $0x9FFFFFFF  }
0xc2: {  	(tm) =	ssettm $0x7FFFFFFF  }
0xc3: {  	_ =	shalt  }
tec
execute0_lowered:
.L_overlay_start_1:
0x0: {  	(tag) =	ssettag $0x1  }
0x1: {  	s9 =	rddreg [dreg:$0x0]  }
0x2: {  	s1 =	rddreg [dreg:$0x1];
	s3 =	simm.s32 $0x0  }
0x3: {  	s0 =	stileid.u32;
	s6 =	srdreg.scid;
	s18 =	simm.s32 $0x2900  }
0x4: {  	s19 =	simm.s32 $0x1;
	s20 =	simm.s32 $0x2;
	s22 =	simm.s32 $0x6900  }
0x5: {  	s23 =	simm.s32 $0x2800;
	s25 =	simm.s32 $0x0;
	[smem:$0x7FF] =	sst s3  }
0x6: {  	s4 =	sadd.s32 $0xE200, s9;
	s5 =	smul.u32 $0x2800, s0;
	s11 =	sand.u32 $0x1, s6  }
0x7: {  	s6 =	sadd.s32 $0x35400, s9;
	s7 =	sadd.s32 $0x4200, s9;
	s14 =	smul.u32 $0x50000, s0  }
0x8: {  	s8 =	sadd.s32 $0x5C600, s9;
	s31 =	sshll.u32 s0, $0x6;
	_ =	strace $0x8000004A  }
0x9: {  	s10 =	smul.u32 $0x28000, s11;
	s13 =	ssub.s32 $0x2, s11;
	p0 =	seq.s32 s11, $0x1  }
0xa: {  	s12 =	sshrl.u32 s5, $0x3;
	s16 =	sshrl.u32 s13, $0x1;
	s29 =	sshrl.u32 s14, $0x2  }
.Ltmp0:
0xb: {  	s14 =	simm.s32 $0x3;
	s15 =	sadd.s32 s12, s9;
	(pc) =	sbr.rel .LBB2_1-.Ltmp0, $4  }
0xc: {  	s17 =	sadd.s32 s10, s9;
	s13 =	ssub.s32 s13, s16;
	s10 =	sadd.s32 s7, s12  }
0xd: {  	s30 =	sadd.s32 s29, s1;
	s9 =	sadd.s32 $0x9200, s15;
	s11 =	sadd.s32 $0x10, s10  }
0xe: {  	s24 =	sadd.s32 $0x5EE00, s17;
	s12 =	smax.u32 s13, $0x1;
	s15 =	sor.u32 $0x1C03, s31  }
0xf: {  	s16 =	sshrl.u32 s30, $0x3;
	s17 =	simm.s32 $0x80;
	s24 =	sadd.s32 s5, s24  }
.LBB2_7:
0x10: {  	[sflag:s14] =	ssyncset.done $0x0  }
0x11: {  	[sflag:s14] =	ssyncadd.s32 $0xFFFFC000  }
0x12: {  	_ =	swait.ge [sflag:s19], $0x4000  }
0x13: {  	[sflag:s19] =	ssyncset.done $0x0  }
0x14: {  	[sflag:s19] =	ssyncadd.s32 $0xFFFFC000  }
0x15: {  	_ =	swait.ge [sflag:s20], $0x80  }
0x16: {  	[sflag:s20] =	ssyncset.done $0x0  }
0x17: {  	[sflag:s20] =	ssyncadd.s32 $0xFFFFFF80  }
0x18: {  	[tilespmem:s18], [sflag:$0x1] =	stream.indirect.gather [hbm4b:s6+s17], $0x80, s3, s17, $0xb8;
	[tilespmem:$0x1E900] =	vst v63  }
0x19: {  	s0 =	simm.s32 $0x2780  }
0x1a: {  	[spmem:s1] =	stream.indirect.scatter.add.f32 [tilespmem:s22], [sflag:$0x3], $0x80, s0, s17, $0xb8;
	[tilespmem:$0x1E900] =	vst v63  }
0x1b: {  	_ =	swait.ge [sflag:s14], $0x4000  }
0x1c: {  	[sflag:s14] =	ssyncset.done $0x0  }
0x1d: {  	[sflag:s14] =	ssyncadd.s32 $0xFFFFC000  }
.LBB2_8:
0x1e: {  	_ =	swait.ge [sflag:s19], $0x4000  }
0x1f: {  	[sflag:s19] =	ssyncset.done $0x0  }
0x20: {  	[sflag:s19] =	ssyncadd.s32 $0xFFFFC000  }
0x21: {  	[spmem:s1] =	stream.indirect.scatter.add.f32 [tilespmem:s18], [sflag:$0x3], $0x80, s23, s17, $0xb8;
	[tilespmem:$0x1E900] =	vst v63  }
0x22: {  	_ =	swait.ge [sflag:s14], $0x4000  }
0x23: {  	s25 =	sadd.s32 $0x1, s25;
	[sflag:s14] =	ssyncset.done $0x0  }
0x24: {  	p1 =	sne.s32 s25, s12;
	[sflag:s14] =	ssyncadd.s32 $0xFFFFC000  }
.Ltmp1:
0x25: {  	[bflag:$0x0] =	sbarrier.arrive $0xFFFF;
	(pc) =	sbr.rel @!p1 .LBB2_9-.Ltmp1, $4  }
0x26: {  	[hbm:s24], [sflag:s15] =	dma.local [spmem:s16], $0x2800  }
0x27: {  	_ =	swait.ge [sflag:s14], $0x2800  }
0x28: {  	[sflag:s14] =	ssyncset.done $0x0  }
0x29: {  	[sflag:s14] =	ssyncadd.s32 $0xFFFFD800  }
.LBB2_1:
0x2a: {  	s0 =	simm.s32 $0x100  }
0x2b: {  	[tilespmem:s0], [sflag:$0x3] =	stream.linear.gather [hbm4b:s9+s3], $0x2780, $0x38;
	[tilespmem:$0x1E900] =	vst v63  }
0x2c: {  	_ =	swait.ge [sflag:s14], $0x2780  }
0x2d: {  	[sflag:s14] =	ssyncset.done $0x0  }
0x2e: {  	[sflag:s14] =	ssyncadd.s32 $0xFFFFD880  }
0x2f: {  	[spmem:s16], [sflag:s15] =	dma.local [hbm:s8], $0x2800  }
0x30: {  	_ =	swait.ge [sflag:s14], $0x2800  }
0x31: {  	[sflag:s14] =	ssyncset.done $0x0  }
0x32: {  	[sflag:s14] =	ssyncadd.s32 $0xFFFFD800  }
0x33: {  	[bflag:$0x0] =	sbarrier.arrive $0xFFFF  }
0x34: {  	[tilespmem:s3], [sflag:$0x3] =	stream.linear.gather [hbm4b:s10+s3], $0x80, $0x38;
	[tilespmem:$0x1E900] =	vst v63  }
.Ltmp2:
0x35: {  	_ = 	snop;
	(pc) =	sbr.rel @!p0 .LBB2_2-.Ltmp2, $4  }
0x36: {  	_ =	swait.ge [sflag:s14], $0x80  }
0x37: {  	[sflag:s14] =	ssyncset.done $0x0  }
0x38: {  	s26 =	simm.s32 $0x0;
	[sflag:s14] =	ssyncadd.s32 $0xFFFFFF80  }
0x39: {  	[tilespmem:s17], [sflag:$0x2] =	stream.linear.gather [hbm4b:s11+s3], $0x80, $0x38;
	[tilespmem:$0x1E900] =	vst v63  }
0x3a: {  	[tilespmem:s18], [sflag:$0x1] =	stream.indirect.gather [hbm4b:s6+s17], $0x80, s26, s17, $0xb8;
	[tilespmem:$0x1E900] =	vst v63  }
0x3b: {  	s28 =	simm.s32 $0x100;
	_ =	swait.ge [sflag:s19], $0x4000  }
0x3c: {  	s0 =	sand.u32 $0x1, s26;
	s2 =	sand.u32 $0x380, s28;
	[sflag:s19] =	ssyncset.done $0x0  }
0x3d: {  	s13 =	sxor.u32 $0x1, s0;
	s21 =	sand.u32 $0x7C00, s28;
	[sflag:s19] =	ssyncadd.s32 $0xFFFFC000  }
0x3e: {  	s29 =	sshll.u32 s13, $0xE;
	s21 =	sadd.s32 s5, s21;
	_ =	swait.ge [sflag:s20], $0x80  }
0x3f: {  	s13 =	sshll.u32 s13, $0x7;
	s2 =	sor.u32 s2, s21;
	[sflag:s20] =	ssyncset.done $0x0  }
0x40: {  	s31 =	sor.u32 $0x2900, s29;
	s2 =	sshrl.u32 s2, $0x3;
	[sflag:s20] =	ssyncadd.s32 $0xFFFFFF80  }
0x41: {  	[tilespmem:s31], [sflag:$0x1] =	stream.indirect.gather [hbm4b:s6+s17], $0x80, s13, s17, $0xb8;
	[tilespmem:$0x1E900] =	vst v63  }
0x42: {  	s30 =	sshll.u32 s0, $0xE;
	s0 =	sshll.u32 s0, $0x7;
	s2 =	sadd.s32 s7, s2  }
0x43: {  	[tilespmem:s0], [sflag:$0x2] =	stream.linear.gather [hbm4b:s2+s3], $0x80, $0x38;
	[tilespmem:$0x1E900] =	vst v63  }
0x44: {  	s31 =	sor.u32 $0x2900, s30  }
0x45: {  	[spmem:s1] =	stream.indirect.scatter.add.f32 [tilespmem:s31], [sflag:$0x3], $0x80, s28, s17, $0xb8;
	[tilespmem:$0x1E900] =	vst v63  }
0x46: {  	s29 =	simm.s32 $0x180;
	_ =	swait.ge [sflag:s14], $0x4000  }
.LBB2_6:
0x47: {  	[sflag:s14] =	ssyncset.done $0x0  }
0x48: {  	s26 =	sadd.s32 $0x1, s26;
	s28 =	sadd.s32 $0x80, s28;
	s0 =	smov.u32 s29  }
0x49: {  	p1 =	sne.s32 s29, $0x2700;
	s29 =	sadd.s32 $0x80, s29;
	[sflag:s14] =	ssyncadd.s32 $0xFFFFC000  }
0x4a: {  	s2 =	sand.u32 $0x1, s26;
	s13 =	sand.u32 $0x380, s0;
	_ =	swait.ge [sflag:s19], $0x4000  }
0x4b: {  	s0 =	sand.u32 $0x7C00, s0;
	s21 =	sxor.u32 $0x1, s2;
	[sflag:s19] =	ssyncset.done $0x0  }
0x4c: {  	s0 =	sadd.s32 s5, s0;
	s30 =	sshll.u32 s21, $0xE;
	[sflag:s19] =	ssyncadd.s32 $0xFFFFC000  }
0x4d: {  	s21 =	sshll.u32 s21, $0x7;
	s30 =	sor.u32 $0x2900, s30;
	_ =	swait.ge [sflag:s20], $0x80  }
0x4e: {  	s31 =	sshll.u32 s2, $0xE;
	s0 =	sor.u32 s13, s0;
	[sflag:s20] =	ssyncset.done $0x0  }
0x4f: {  	s2 =	sshll.u32 s2, $0x7;
	s0 =	sshrl.u32 s0, $0x3;
	[sflag:s20] =	ssyncadd.s32 $0xFFFFFF80  }
0x50: {  	[tilespmem:s30], [sflag:$0x1] =	stream.indirect.gather [hbm4b:s6+s17], $0x80, s21, s17, $0xb8;
	[tilespmem:$0x1E900] =	vst v63  }
.Ltmp3:
0x51: {  	s13 =	sor.u32 $0x2900, s31;
	s0 =	sadd.s32 s7, s0;
	(pc) =	sbr.rel @p1 .LBB2_6-.Ltmp3, $4  }
0x52: {  	[tilespmem:s2], [sflag:$0x2] =	stream.linear.gather [hbm4b:s0+s3], $0x80, $0x38;
	[tilespmem:$0x1E900] =	vst v63  }
0x53: {  	_ = 	snop  }
0x54: {  	[spmem:s1] =	stream.indirect.scatter.add.f32 [tilespmem:s13], [sflag:$0x3], $0x80, s28, s17, $0xb8;
	[tilespmem:$0x1E900] =	vst v63  }
0x55: {  	_ =	swait.ge [sflag:s14], $0x4000  }
.Ltmp4:
0x56: {  	_ = 	snop;
	(pc) =	sbr.rel .LBB2_7-.Ltmp4, $1  }
0x57: {  	_ =	sdelay $0x3  }
.LBB2_2:
0x58: {  	[tilespmem:s18], [sflag:$0x1] =	stream.indirect.gather [hbm4b:s4+s17], $0x80, s26, s17, $0xb8;
	[tilespmem:$0x1E900] =	vst v63  }
0x59: {  	s28 =	simm.s32 $0x100;
	_ =	swait.ge [sflag:s19], $0x4000  }
0x5a: {  	s29 =	sand.u32 $0x1, s26;
	s30 =	sand.u32 $0x380, s28;
	[sflag:s19] =	ssyncset.done $0x0  }
0x5b: {  	s31 =	sxor.u32 $0x1, s29;
	s0 =	sand.u32 $0x7C00, s28;
	[sflag:s19] =	ssyncadd.s32 $0xFFFFC000  }
0x5c: {  	s2 =	sshll.u32 s31, $0xE;
	s0 =	sadd.s32 s5, s0;
	_ =	swait.ge [sflag:s20], $0x80  }
0x5d: {  	s31 =	sshll.u32 s31, $0x7;
	s0 =	sor.u32 s30, s0;
	[sflag:s20] =	ssyncset.done $0x0  }
0x5e: {  	s2 =	sor.u32 $0x2900, s2;
	s0 =	sshrl.u32 s0, $0x3;
	[sflag:s20] =	ssyncadd.s32 $0xFFFFFF80  }
0x5f: {  	[tilespmem:s2], [sflag:$0x1] =	stream.indirect.gather [hbm4b:s4+s17], $0x80, s31, s17, $0xb8;
	[tilespmem:$0x1E900] =	vst v63  }
0x60: {  	s30 =	sshll.u32 s29, $0xE;
	s29 =	sshll.u32 s29, $0x7;
	s0 =	sadd.s32 s7, s0  }
0x61: {  	[tilespmem:s29], [sflag:$0x2] =	stream.linear.gather [hbm4b:s0+s3], $0x80, $0x38;
	[tilespmem:$0x1E900] =	vst v63  }
0x62: {  	s31 =	sor.u32 $0x2900, s30  }
0x63: {  	[spmem:s1] =	stream.indirect.scatter.add.f32 [tilespmem:s31], [sflag:$0x3], $0x80, s28, s17, $0xb8;
	[tilespmem:$0x1E900] =	vst v63  }
0x64: {  	s29 =	simm.s32 $0x180;
	_ =	swait.ge [sflag:s14], $0x4000  }
.LBB2_3:
0x65: {  	[sflag:s14] =	ssyncset.done $0x0  }
0x66: {  	s26 =	sadd.s32 $0x1, s26;
	s28 =	sadd.s32 $0x80, s28;
	s0 =	smov.u32 s29  }
0x67: {  	p1 =	seq.s32 s29, $0x2700;
	s29 =	sadd.s32 $0x80, s29;
	[sflag:s14] =	ssyncadd.s32 $0xFFFFC000  }
0x68: {  	s2 =	sand.u32 $0x1, s26;
	s30 =	sand.u32 $0x380, s0;
	_ =	swait.ge [sflag:s19], $0x4000  }
0x69: {  	s0 =	sand.u32 $0x7C00, s0;
	s31 =	sxor.u32 $0x1, s2;
	[sflag:s19] =	ssyncset.done $0x0  }
0x6a: {  	s0 =	sadd.s32 s5, s0;
	s13 =	sshll.u32 s31, $0xE;
	[sflag:s19] =	ssyncadd.s32 $0xFFFFC000  }
0x6b: {  	s31 =	sshll.u32 s31, $0x7;
	s13 =	sor.u32 $0x2900, s13;
	_ =	swait.ge [sflag:s20], $0x80  }
0x6c: {  	s21 =	sshll.u32 s2, $0xE;
	s0 =	sor.u32 s30, s0;
	[sflag:s20] =	ssyncset.done $0x0  }
0x6d: {  	s2 =	sshll.u32 s2, $0x7;
	s0 =	sshrl.u32 s0, $0x3;
	[sflag:s20] =	ssyncadd.s32 $0xFFFFFF80  }
0x6e: {  	[tilespmem:s13], [sflag:$0x1] =	stream.indirect.gather [hbm4b:s4+s17], $0x80, s31, s17, $0xb8;
	[tilespmem:$0x1E900] =	vst v63  }
.Ltmp5:
0x6f: {  	s0 =	sadd.s32 s7, s0;
	s13 =	sor.u32 $0x2900, s21;
	(pc) =	sbr.rel @!p1 .LBB2_3-.Ltmp5, $4  }
0x70: {  	[tilespmem:s2], [sflag:$0x2] =	stream.linear.gather [hbm4b:s0+s3], $0x80, $0x38;
	[tilespmem:$0x1E900] =	vst v63  }
0x71: {  	_ = 	snop  }
0x72: {  	[spmem:s1] =	stream.indirect.scatter.add.f32 [tilespmem:s13], [sflag:$0x3], $0x80, s28, s17, $0xb8;
	[tilespmem:$0x1E900] =	vst v63  }
0x73: {  	_ =	swait.ge [sflag:s14], $0x4000  }
0x74: {  	[sflag:s14] =	ssyncset.done $0x0  }
0x75: {  	[sflag:s14] =	ssyncadd.s32 $0xFFFFC000  }
0x76: {  	_ =	swait.ge [sflag:s19], $0x4000  }
0x77: {  	[sflag:s19] =	ssyncset.done $0x0  }
0x78: {  	[sflag:s19] =	ssyncadd.s32 $0xFFFFC000  }
0x79: {  	_ =	swait.ge [sflag:s20], $0x80  }
0x7a: {  	[sflag:s20] =	ssyncset.done $0x0  }
0x7b: {  	[sflag:s20] =	ssyncadd.s32 $0xFFFFFF80  }
0x7c: {  	[tilespmem:s18], [sflag:$0x1] =	stream.indirect.gather [hbm4b:s4+s17], $0x80, s3, s17, $0xb8;
	[tilespmem:$0x1E900] =	vst v63  }
.Ltmp6:
0x7d: {  	s0 =	simm.s32 $0x2780;
	(pc) =	sbr.rel .LBB2_8-.Ltmp6, $4  }
0x7e: {  	[spmem:s1] =	stream.indirect.scatter.add.f32 [tilespmem:s22], [sflag:$0x3], $0x80, s0, s17, $0xb8;
	[tilespmem:$0x1E900] =	vst v63  }
0x7f: {  	_ =	swait.ge [sflag:s14], $0x4000  }
0x80: {  	[sflag:s14] =	ssyncset.done $0x0  }
0x81: {  	[sflag:s14] =	ssyncadd.s32 $0xFFFFC000  }
.LBB2_9:
0x82: {  	_ =	sfence.sel $0x180000  }
0x83: {  	[bflag:$0x0] =	sbarrier.arrive $0xFFFF  }
0x84: {  	_ =	strace $0x9000004A  }
0x85: {  	s0 =	stileid.u32;
	[bflag:$0x2] =	sbarrier.arrive $0xFFFF  }
0x86: {  	p0 =	sne.s32 s0, $0x0;
	s0 =	rddreg [dreg:$0x2]  }
0x87: {  	s0 =	sadd.s32 @!p0 $0x100000, s0  }
0x88: {  	[sflag:s0] =	ssyncadd.tile.s32 @!p0 $0x1;
	_ =	shalt  }
.Lfunc_end2:
_tile_overlayer_lowered:
.L_overlay_start_2:
0x89: {  	(tag) =	ssettag $0x2  }
0x8a: {  	s0 =	rddreg [dreg:$0x0];
	s2 =	stileid.u32  }
0x8b: {  	s1 =	rddreg [dreg:$0x1];
	p0 =	sne.s32 s2, $0x0  }
0x8c: {  	s3 =	rddreg [dreg:$0x2];
	[bflag:$0x3] =	sbarrier.arrive $0xFFFF;
	s2 =	simm.s32 @!p0 $0x1C03  }
0x8d: {  	[timem:s3], [sflag:s2] =	dma.local @!p0 [hbm:s0], s1  }
0x8e: {  	s0 =	simm.s32 @!p0 $0x3  }
0x8f: {  	_ =	swait.ge @!p0 [sflag:s0], s1  }
0x90: {  	s1 =	ssub.s32 @!p0 $0x0, s1;
	[sflag:s0] =	ssyncset.done @!p0 $0x0  }
0x91: {  	[sflag:s0] =	ssyncadd.s32 @!p0 s1  }
0x92: {  	[bflag:$0x3] =	sbarrier.arrive $0xFFFF  }
0x93: {  	_ =	shalt  }

// kernel: kernel.14.cloned.1.call-start
scs
__scs_entry_jumppad:
0x0: {  	(pc) =	sbr.rel $0x88, $3  }
0x1: {  	(tag) =	ssettag $0x0;
	lr =	simm.s32 $0x1  }
0x2: {  	[smem:$0x3F97] =	sst lr;
	_ =	strace $0xD0000000  }
0x3: {  	_ = 	snop  }
0x4: {  	_ = 	snop  }
0x5: {  	_ = 	snop  }
0x6: {  	_ = 	snop  }
0x7: {  	_ = 	snop  }
__scs_overlays_trampoline_lowered:
0x8: {  	[smem:$0x3FA6] =	sst s0  }
0x9: {  	[smem:$0x3FA7] =	sst s1  }
0xa: {  	[smem:$0x3FA8] =	sst s2  }
0xb: {  	[smem:$0x3FA9] =	sst s3  }
0xc: {  	[smem:$0x3FAA] =	sst s4  }
0xd: {  	[smem:$0x3FAB] =	sst s5  }
0xe: {  	[smem:$0x3FAC] =	sst s6  }
0xf: {  	[smem:$0x3FAD] =	sst s7  }
0x10: {  	[smem:$0x3FAE] =	sst s8  }
0x11: {  	[smem:$0x3FAF] =	sst s9;
	s0 =	simm.s32 @!p0 $0x0  }
0x12: {  	s1 =	sld [smem:$0x3F95];
	s0 =	simm.s32 @p0 $0x1  }
0x13: {  	[smem:$0x3FB0] =	sst s0;
	s0 =	simm.s32 @!p1 $0x0  }
0x14: {  	s2 =	sld [smem:$0x3F94];
	s0 =	simm.s32 @p1 $0x1  }
0x15: {  	[smem:$0x3FB1] =	sst s0;
	s0 =	simm.s32 @!p2 $0x0  }
0x16: {  	s3 =	sld [smem:$0x3FDB];
	s0 =	simm.s32 @p2 $0x1  }
0x17: {  	s4 =	simm.s32 $0x1BF5;
	[smem:$0x3FB3] =	sst s0  }
0x18: {  	s0 =	sld [smem:$0x3F96];
	_ =	swait.ge [sflag:s4], $0x0  }
0x19: {  	s7 =	sld [smem:$0x3F97]  }
0x1a: {  	s8 =	sadd.s32 $0xFFFFE003, lr  }
0x1b: {  	s9 =	sadd.s32 $0xFFFFFEF7, lr;
	s5 =	simm.s32 $0xFFFFFFFF;
	p2 =	slt.u32 s8, $0xFFFFF086  }
0x1c: {  	p1 =	slt.u32 s9, $0xF7A;
	s5 =	simm.s32 @!p2 $0x0  }
0x1d: {  	s5 =	simm.s32 @p1 $0x1;
	p0 =	seq.s32 s7, s2  }
0x1e: {  	s7 =	smul.u32 @!p0 $0xF7A, s2;
	p2 =	seq.s32 @!p0 s5, $0x0  }
0x1f: {  	s9 =	smul.u32 $0xF7A, s1;
	s8 =	simm.s32 @!p0 $0x1BF5;
	p2 =	por !p2, p0  }
0x20: {  	[sflag:s8] =	ssyncset.s32 @!p0 $0xFFFFF086;
	s6 =	sadd.s32 @!p0 s3, s7;
	s7 =	simm.s32 @!p0 $0x108  }
0x21: {  	s3 =	sadd.s32 s3, s9;
	s6 =	sadd.s32 @!p0 $0x88, s6;
	s7 =	simm.s32 @p2 $0x1082  }
0x22: {  	[simem:s7], [sflag:s8] =	dma.local @!p0 [hbm:s6], $0xF7A  }
0x23: {  	s9 =	sor.u32 $0xD0000000, s2;
	s6 =	simm.s32 $0x108;
	_ =	swait.ge @!p0 [sflag:s8], $0x0  }
0x24: {  	s3 =	sadd.s32 $0x88, s3;
	s6 =	simm.s32 @!p1 $0x1082;
	[sflag:s4] =	ssyncset.s32 $0xFFFFF086  }
0x25: {  	[simem:s6], [sflag:s4] =	dma.local [hbm:s3], $0xF7A  }
0x26: {  	[smem:$0x3F97] =	sst s1;
	(tag) =	ssettag s2;
	_ =	strace s9  }
0x27: {  	s1 =	sld [smem:$0x3FA7]  }
0x28: {  	s2 =	sld [smem:$0x3FA8]  }
0x29: {  	s4 =	sld [smem:$0x3FAA]  }
0x2a: {  	p0 =	seq.s32 s5, $0x0;
	s5 =	sld [smem:$0x3FAB]  }
0x2b: {  	s6 =	sld [smem:$0x3FAC]  }
0x2c: {  	s7 =	sld [smem:$0x3FAD]  }
0x2d: {  	s3 =	simm.s32 $0x108;
	s8 =	sld [smem:$0x3FAE]  }
0x2e: {  	s3 =	simm.s32 @!p0 $0x1082;
	s9 =	sld [smem:$0x3FAF]  }
0x2f: {  	lr =	sadd.s32 s0, s3;
	s0 =	sld [smem:$0x3FA6]  }
0x30: {  	s3 =	sld [smem:$0x3FA9]  }
0x31: {  	[smem:$0x3FB2] =	sst s10  }
0x32: {  	s10 =	sld [smem:$0x3FB0];
	_ =	sdelay $0x3  }
0x33: {  	p0 =	seq.s32 s10, $0x1;
	s10 =	sld [smem:$0x3FB2];
	_ =	sdelay $0x3  }
0x34: {  	[smem:$0x3FB2] =	sst s10  }
0x35: {  	s10 =	sld [smem:$0x3FB1];
	_ =	sdelay $0x3  }
0x36: {  	p1 =	seq.s32 s10, $0x1;
	s10 =	sld [smem:$0x3FB2];
	_ =	sdelay $0x3  }
0x37: {  	[smem:$0x3FB2] =	sst s10  }
0x38: {  	s10 =	sld [smem:$0x3FB3]  }
0x39: {  	_ = 	snop;
	(pc) =	sbr.ind lr, $3  }
0x3a: {  	_ = 	snop  }
0x3b: {  	_ = 	snop  }
0x3c: {  	p2 =	seq.s32 s10, $0x1;
	s10 =	sld [smem:$0x3FB2]  }
0x3d: {  	_ =	shalt  }
0x3e: {  	_ =	shalt  }
0x3f: {  	_ =	shalt  }
0x40: {  	_ =	shalt  }
0x41: {  	_ =	shalt  }
0x42: {  	_ =	shalt  }
0x43: {  	_ =	shalt  }
0x44: {  	_ =	shalt  }
0x45: {  	_ =	shalt  }
0x46: {  	_ =	shalt  }
0x47: {  	_ =	shalt  }
0x48: {  	_ =	shalt  }
0x49: {  	_ =	shalt  }
0x4a: {  	_ =	shalt  }
0x4b: {  	_ =	shalt  }
0x4c: {  	_ =	shalt  }
0x4d: {  	_ =	shalt  }
0x4e: {  	_ =	shalt  }
0x4f: {  	_ =	shalt  }
0x50: {  	_ =	shalt  }
0x51: {  	_ =	shalt  }
0x52: {  	_ =	shalt  }
0x53: {  	_ =	shalt  }
0x54: {  	_ =	shalt  }
0x55: {  	_ =	shalt  }
0x56: {  	_ =	shalt  }
0x57: {  	_ =	shalt  }
0x58: {  	_ =	shalt  }
0x59: {  	_ =	shalt  }
0x5a: {  	_ =	shalt  }
0x5b: {  	_ =	shalt  }
0x5c: {  	_ =	shalt  }
0x5d: {  	_ =	shalt  }
0x5e: {  	_ =	shalt  }
0x5f: {  	_ =	shalt  }
0x60: {  	_ =	shalt  }
0x61: {  	_ =	shalt  }
0x62: {  	_ =	shalt  }
0x63: {  	_ =	shalt  }
0x64: {  	_ =	shalt  }
0x65: {  	_ =	shalt  }
0x66: {  	_ =	shalt  }
0x67: {  	_ =	shalt  }
0x68: {  	_ =	shalt  }
0x69: {  	_ =	shalt  }
0x6a: {  	_ =	shalt  }
0x6b: {  	_ =	shalt  }
0x6c: {  	_ =	shalt  }
0x6d: {  	_ =	shalt  }
0x6e: {  	_ =	shalt  }
0x6f: {  	_ =	shalt  }
0x70: {  	_ =	shalt  }
0x71: {  	_ =	shalt  }
0x72: {  	_ =	shalt  }
0x73: {  	_ =	shalt  }
0x74: {  	_ =	shalt  }
0x75: {  	_ =	shalt  }
0x76: {  	_ =	shalt  }
0x77: {  	_ =	shalt  }
0x78: {  	_ =	shalt  }
0x79: {  	_ =	shalt  }
0x7a: {  	_ =	shalt  }
0x7b: {  	_ =	shalt  }
0x7c: {  	_ =	shalt  }
0x7d: {  	_ =	shalt  }
0x7e: {  	_ =	shalt  }
0x7f: {  	_ =	shalt  }
0x80: {  	_ =	shalt  }
0x81: {  	_ =	shalt  }
0x82: {  	_ =	shalt  }
0x83: {  	_ =	shalt  }
0x84: {  	_ =	shalt  }
0x85: {  	_ =	shalt  }
0x86: {  	_ =	shalt  }
0x87: {  	_ =	shalt  }
.Lfunc_end0:
.L_simem_size_0:
called_computation.2_lowered:
.L_overlay_start_0:
0x88: {  	s2 =	sld [smem:$0x3FD9]  }
0x89: {  	s3 =	sld [smem:$0x3FFE];
	_ =	sdelay $0x1  }
0x8a: {  	s1 =	srdreg.scid  }
0x8b: {  	s0 =	sand.u32 $0x1, s1  }
0x8c: {  	s16 =	sshll.u32 s0, $0xA;
	s2 =	sadd.s32 s3, s2  }
0x8d: {  	s2 =	sadd.s32 s2, s16  }
0x8e: {  	[smem:$0x3FBE] =	sst s2  }
0x8f: {  	_ = 	snop  }
0x90: {  	(tm) =	ssettm $0x1  }
0x91: {  	s17 =	sld [smem:$0x3FFB];
	_ =	sdelay $0x3  }
0x92: {  	_ =	strace s17  }
0x93: {  	s2 =	sld [smem:$0x3FFC];
	_ =	sdelay $0x3  }
0x94: {  	_ =	strace s2  }
0x95: {  	s2 =	sld [smem:$0x3FFD];
	_ =	sdelay $0x3  }
0x96: {  	_ =	strace s2  }
0x97: {  	_ =	strace $0x8FFFFFFF  }
0x98: {  	s18 =	sld [smem:$0x3FDB];
	_ =	sdelay $0x1  }
0x99: {  	s19 =	simm.s32 $_scs_section_size  }
0x9a: {  	s4 =	simm.s32 $_size__tile_overlayer_lowered;
	s5 =	simm.s32 $_tile_overlayer_lowered  }
0x9b: {  	s22 =	simm.s32 $0x1BFF;
	s21 =	sshll.u32 s5, $0x1;
	s2 =	sadd.s32 s19, s18  }
0x9c: {  	s6 =	simm.s32 $0x0;
	s20 =	sshll.u32 s4, $0x1;
	s4 =	sadd.s32 s21, s2  }
0x9d: {  	[timem:s6], [sflag:s22] =	dma.local [hbm:s4], s20  }
0x9e: {  	_ =	swait.ge [sflag:s22], s20  }
0x9f: {  	s3 =	ssub.s32 $0x0, s20;
	[sflag:s22] =	ssyncset.done $0x0  }
0xa0: {  	[sflag:s22] =	ssyncadd.s32 s3;
	_ =	sdelay $0x1  }
0xa1: {  	s23 =	simm.s32 $0x1B8B  }
0xa2: {  	_ =	swait.ge [sflag:s23], $0x1  }
0xa3: {  	[sflag:s23] =	ssyncset.done $0x0  }
0xa4: {  	s25 =	simm.s32 $0x1B8E;
	s24 =	sld [smem:$0x3FFE];
	[sflag:s23] =	ssyncadd.s32 $0xFFFFFFFF  }
0xa5: {  	s26 =	simm.s32 $execute0_lowered;
	[smem:$0x3FD2] =	sst s25  }
0xa6: {  	s4 =	sshll.u32 s26, $0x1;
	_ =	strace $0x8000004C;
	[dreg:$0x1] =	wrdreg $0xFFFFFFFF  }
0xa7: {  	s28 =	simm.s32 $_size_execute0_lowered;
	s2 =	sadd.s32 s2, s4;
	[dreg:$0x0] =	wrdreg $0x0  }
0xa8: {  	s4 =	sshll.u32 s28, $0x1;
	[dreg:$0x2] =	wrdreg s2  }
0xa9: {  	[dreg:$0x3] =	wrdreg s4  }
0xaa: {  	[dreg:$0x4] =	wrdreg $0xC0  }
0xab: {  	_ =	task [dreg:s6], $0x5FFFF  }
0xac: {  	[dreg:$0x1] =	wrdreg $0xFFFFFFFF  }
0xad: {  	[dreg:$0x0] =	wrdreg $0x60  }
0xae: {  	[dreg:$0x2] =	wrdreg s24  }
0xaf: {  	[dreg:$0x3] =	wrdreg $0xA9000  }
0xb0: {  	[dreg:$0x4] =	wrdreg $0x9  }
0xb1: {  	_ =	task.clear_ibuf [dreg:s6], $0x5FFFF;
	_ =	strace $0x9000004C  }
0xb2: {  	s29 =	simm.s32 $0x9;
	_ =	strace $0x8000004E  }
0xb3: {  	_ =	swait.ge [sflag:s29], $0x1  }
0xb4: {  	[sflag:s29] =	ssyncadd.s32 $0xFFFFFFFF  }
0xb5: {  	_ =	strace $0x9000004E  }
0xb6: {  	_ =	sfence  }
0xb7: {  	s30 =	sld [smem:$0x0];
	_ =	sdelay $0x2  }
0xb8: {  	s31 =	sshll.u32 s1, $0xD;
	s1 =	sshrl.u32 s1, $0x2  }
0xb9: {  	s3 =	sand.u32 $0x4000, s31;
	s1 =	sadd.s32 s1, s30  }
0xba: {  	s0 =	sor.u32 s3, s0;
	s1 =	sshll.u32 s1, $0x11  }
0xbb: {  	s0 =	sor.u32 s1, s0  }
0xbc: {  	s0 =	sadd.s32 $0x8F2B, s0  }
0xbd: {  	[sflag:s0] =	ssyncadd.remote.s32 $0x1  }
0xbe: {  	_ =	sfence.sel $0xFFFF  }
0xbf: {  	[dreg:$0x0] =	wrdreg $0xFFFFFFFF;
	(pc) =	sbr.abs _section_cstart, $3  }
0xc0: {  	[dreg:$0x1] =	wrdreg $0xFFFFFFFF  }
0xc1: {  	_ =	task.clear_ibuf [dreg:s6], $0x2FFFF;
	_ =	strace $0x9FFFFFFF  }
0xc2: {  	(tm) =	ssettm $0x7FFFFFFF  }
0xc3: {  	_ =	shalt  }
tec
execute0_lowered:
.L_overlay_start_1:
0x0: {  	(tag) =	ssettag $0x1  }
0x1: {  	s9 =	rddreg [dreg:$0x0]  }
0x2: {  	s1 =	rddreg [dreg:$0x1];
	s3 =	simm.s32 $0x0  }
0x3: {  	s0 =	stileid.u32;
	s6 =	srdreg.scid;
	s18 =	simm.s32 $0x2900  }
0x4: {  	s19 =	simm.s32 $0x1;
	s20 =	simm.s32 $0x2;
	s22 =	simm.s32 $0x6900  }
0x5: {  	s23 =	simm.s32 $0x2800;
	s25 =	simm.s32 $0x0;
	[smem:$0x7FF] =	sst s3  }
0x6: {  	s4 =	sadd.s32 $0xE200, s9;
	s5 =	smul.u32 $0x2800, s0;
	s11 =	sand.u32 $0x1, s6  }
0x7: {  	s6 =	sadd.s32 $0x35400, s9;
	s7 =	sadd.s32 $0x4200, s9;
	s14 =	smul.u32 $0x50000, s0  }
0x8: {  	s8 =	sadd.s32 $0x5C600, s9;
	s31 =	sshll.u32 s0, $0x6;
	_ =	strace $0x8000004D  }
0x9: {  	s10 =	smul.u32 $0x28000, s11;
	s13 =	ssub.s32 $0x2, s11;
	p0 =	seq.s32 s11, $0x1  }
0xa: {  	s12 =	sshrl.u32 s5, $0x3;
	s16 =	sshrl.u32 s13, $0x1;
	s29 =	sshrl.u32 s14, $0x2  }
.Ltmp0:
0xb: {  	s14 =	simm.s32 $0x3;
	s15 =	sadd.s32 s12, s9;
	(pc) =	sbr.rel .LBB2_1-.Ltmp0, $4  }
0xc: {  	s17 =	sadd.s32 s10, s9;
	s13 =	ssub.s32 s13, s16;
	s10 =	sadd.s32 s7, s12  }
0xd: {  	s30 =	sadd.s32 s29, s1;
	s9 =	sadd.s32 $0x9200, s15;
	s11 =	sadd.s32 $0x10, s10  }
0xe: {  	s24 =	sadd.s32 $0x5EE00, s17;
	s12 =	smax.u32 s13, $0x1;
	s15 =	sor.u32 $0x1C03, s31  }
0xf: {  	s16 =	sshrl.u32 s30, $0x3;
	s17 =	simm.s32 $0x80;
	s24 =	sadd.s32 s5, s24  }
.LBB2_7:
0x10: {  	[sflag:s14] =	ssyncset.done $0x0  }
0x11: {  	[sflag:s14] =	ssyncadd.s32 $0xFFFFC000  }
0x12: {  	_ =	swait.ge [sflag:s19], $0x4000  }
0x13: {  	[sflag:s19] =	ssyncset.done $0x0  }
0x14: {  	[sflag:s19] =	ssyncadd.s32 $0xFFFFC000  }
0x15: {  	_ =	swait.ge [sflag:s20], $0x80  }
0x16: {  	[sflag:s20] =	ssyncset.done $0x0  }
0x17: {  	[sflag:s20] =	ssyncadd.s32 $0xFFFFFF80  }
0x18: {  	[tilespmem:s18], [sflag:$0x1] =	stream.indirect.gather [hbm4b:s6+s17], $0x80, s3, s17, $0xb8;
	[tilespmem:$0x1E900] =	vst v63  }
0x19: {  	s0 =	simm.s32 $0x2780  }
0x1a: {  	[spmem:s1] =	stream.indirect.scatter.add.f32 [tilespmem:s22], [sflag:$0x3], $0x80, s0, s17, $0xb8;
	[tilespmem:$0x1E900] =	vst v63  }
0x1b: {  	_ =	swait.ge [sflag:s14], $0x4000  }
0x1c: {  	[sflag:s14] =	ssyncset.done $0x0  }
0x1d: {  	[sflag:s14] =	ssyncadd.s32 $0xFFFFC000  }
.LBB2_8:
0x1e: {  	_ =	swait.ge [sflag:s19], $0x4000  }
0x1f: {  	[sflag:s19] =	ssyncset.done $0x0  }
0x20: {  	[sflag:s19] =	ssyncadd.s32 $0xFFFFC000  }
0x21: {  	[spmem:s1] =	stream.indirect.scatter.add.f32 [tilespmem:s18], [sflag:$0x3], $0x80, s23, s17, $0xb8;
	[tilespmem:$0x1E900] =	vst v63  }
0x22: {  	_ =	swait.ge [sflag:s14], $0x4000  }
0x23: {  	s25 =	sadd.s32 $0x1, s25;
	[sflag:s14] =	ssyncset.done $0x0  }
0x24: {  	p1 =	sne.s32 s25, s12;
	[sflag:s14] =	ssyncadd.s32 $0xFFFFC000  }
.Ltmp1:
0x25: {  	[bflag:$0x0] =	sbarrier.arrive $0xFFFF;
	(pc) =	sbr.rel @!p1 .LBB2_9-.Ltmp1, $4  }
0x26: {  	[hbm:s24], [sflag:s15] =	dma.local [spmem:s16], $0x2800  }
0x27: {  	_ =	swait.ge [sflag:s14], $0x2800  }
0x28: {  	[sflag:s14] =	ssyncset.done $0x0  }
0x29: {  	[sflag:s14] =	ssyncadd.s32 $0xFFFFD800  }
.LBB2_1:
0x2a: {  	s0 =	simm.s32 $0x100  }
0x2b: {  	[tilespmem:s0], [sflag:$0x3] =	stream.linear.gather [hbm4b:s9+s3], $0x2780, $0x38;
	[tilespmem:$0x1E900] =	vst v63  }
0x2c: {  	_ =	swait.ge [sflag:s14], $0x2780  }
0x2d: {  	[sflag:s14] =	ssyncset.done $0x0  }
0x2e: {  	[sflag:s14] =	ssyncadd.s32 $0xFFFFD880  }
0x2f: {  	[spmem:s16], [sflag:s15] =	dma.local [hbm:s8], $0x2800  }
0x30: {  	_ =	swait.ge [sflag:s14], $0x2800  }
0x31: {  	[sflag:s14] =	ssyncset.done $0x0  }
0x32: {  	[sflag:s14] =	ssyncadd.s32 $0xFFFFD800  }
0x33: {  	[bflag:$0x0] =	sbarrier.arrive $0xFFFF  }
0x34: {  	[tilespmem:s3], [sflag:$0x3] =	stream.linear.gather [hbm4b:s10+s3], $0x80, $0x38;
	[tilespmem:$0x1E900] =	vst v63  }
.Ltmp2:
0x35: {  	_ = 	snop;
	(pc) =	sbr.rel @!p0 .LBB2_2-.Ltmp2, $4  }
0x36: {  	_ =	swait.ge [sflag:s14], $0x80  }
0x37: {  	[sflag:s14] =	ssyncset.done $0x0  }
0x38: {  	s26 =	simm.s32 $0x0;
	[sflag:s14] =	ssyncadd.s32 $0xFFFFFF80  }
0x39: {  	[tilespmem:s17], [sflag:$0x2] =	stream.linear.gather [hbm4b:s11+s3], $0x80, $0x38;
	[tilespmem:$0x1E900] =	vst v63  }
0x3a: {  	[tilespmem:s18], [sflag:$0x1] =	stream.indirect.gather [hbm4b:s6+s17], $0x80, s26, s17, $0xb8;
	[tilespmem:$0x1E900] =	vst v63  }
0x3b: {  	s28 =	simm.s32 $0x100;
	_ =	swait.ge [sflag:s19], $0x4000  }
0x3c: {  	s0 =	sand.u32 $0x1, s26;
	s2 =	sand.u32 $0x380, s28;
	[sflag:s19] =	ssyncset.done $0x0  }
0x3d: {  	s13 =	sxor.u32 $0x1, s0;
	s21 =	sand.u32 $0x7C00, s28;
	[sflag:s19] =	ssyncadd.s32 $0xFFFFC000  }
0x3e: {  	s29 =	sshll.u32 s13, $0xE;
	s21 =	sadd.s32 s5, s21;
	_ =	swait.ge [sflag:s20], $0x80  }
0x3f: {  	s13 =	sshll.u32 s13, $0x7;
	s2 =	sor.u32 s2, s21;
	[sflag:s20] =	ssyncset.done $0x0  }
0x40: {  	s31 =	sor.u32 $0x2900, s29;
	s2 =	sshrl.u32 s2, $0x3;
	[sflag:s20] =	ssyncadd.s32 $0xFFFFFF80  }
0x41: {  	[tilespmem:s31], [sflag:$0x1] =	stream.indirect.gather [hbm4b:s6+s17], $0x80, s13, s17, $0xb8;
	[tilespmem:$0x1E900] =	vst v63  }
0x42: {  	s30 =	sshll.u32 s0, $0xE;
	s0 =	sshll.u32 s0, $0x7;
	s2 =	sadd.s32 s7, s2  }
0x43: {  	[tilespmem:s0], [sflag:$0x2] =	stream.linear.gather [hbm4b:s2+s3], $0x80, $0x38;
	[tilespmem:$0x1E900] =	vst v63  }
0x44: {  	s31 =	sor.u32 $0x2900, s30  }
0x45: {  	[spmem:s1] =	stream.indirect.scatter.add.f32 [tilespmem:s31], [sflag:$0x3], $0x80, s28, s17, $0xb8;
	[tilespmem:$0x1E900] =	vst v63  }
0x46: {  	s29 =	simm.s32 $0x180;
	_ =	swait.ge [sflag:s14], $0x4000  }
.LBB2_6:
0x47: {  	[sflag:s14] =	ssyncset.done $0x0  }
0x48: {  	s26 =	sadd.s32 $0x1, s26;
	s28 =	sadd.s32 $0x80, s28;
	s0 =	smov.u32 s29  }
0x49: {  	p1 =	sne.s32 s29, $0x2700;
	s29 =	sadd.s32 $0x80, s29;
	[sflag:s14] =	ssyncadd.s32 $0xFFFFC000  }
0x4a: {  	s2 =	sand.u32 $0x1, s26;
	s13 =	sand.u32 $0x380, s0;
	_ =	swait.ge [sflag:s19], $0x4000  }
0x4b: {  	s0 =	sand.u32 $0x7C00, s0;
	s21 =	sxor.u32 $0x1, s2;
	[sflag:s19] =	ssyncset.done $0x0  }
0x4c: {  	s0 =	sadd.s32 s5, s0;
	s30 =	sshll.u32 s21, $0xE;
	[sflag:s19] =	ssyncadd.s32 $0xFFFFC000  }
0x4d: {  	s21 =	sshll.u32 s21, $0x7;
	s30 =	sor.u32 $0x2900, s30;
	_ =	swait.ge [sflag:s20], $0x80  }
0x4e: {  	s31 =	sshll.u32 s2, $0xE;
	s0 =	sor.u32 s13, s0;
	[sflag:s20] =	ssyncset.done $0x0  }
0x4f: {  	s2 =	sshll.u32 s2, $0x7;
	s0 =	sshrl.u32 s0, $0x3;
	[sflag:s20] =	ssyncadd.s32 $0xFFFFFF80  }
0x50: {  	[tilespmem:s30], [sflag:$0x1] =	stream.indirect.gather [hbm4b:s6+s17], $0x80, s21, s17, $0xb8;
	[tilespmem:$0x1E900] =	vst v63  }
.Ltmp3:
0x51: {  	s13 =	sor.u32 $0x2900, s31;
	s0 =	sadd.s32 s7, s0;
	(pc) =	sbr.rel @p1 .LBB2_6-.Ltmp3, $4  }
0x52: {  	[tilespmem:s2], [sflag:$0x2] =	stream.linear.gather [hbm4b:s0+s3], $0x80, $0x38;
	[tilespmem:$0x1E900] =	vst v63  }
0x53: {  	_ = 	snop  }
0x54: {  	[spmem:s1] =	stream.indirect.scatter.add.f32 [tilespmem:s13], [sflag:$0x3], $0x80, s28, s17, $0xb8;
	[tilespmem:$0x1E900] =	vst v63  }
0x55: {  	_ =	swait.ge [sflag:s14], $0x4000  }
.Ltmp4:
0x56: {  	_ = 	snop;
	(pc) =	sbr.rel .LBB2_7-.Ltmp4, $1  }
0x57: {  	_ =	sdelay $0x3  }
.LBB2_2:
0x58: {  	[tilespmem:s18], [sflag:$0x1] =	stream.indirect.gather [hbm4b:s4+s17], $0x80, s26, s17, $0xb8;
	[tilespmem:$0x1E900] =	vst v63  }
0x59: {  	s28 =	simm.s32 $0x100;
	_ =	swait.ge [sflag:s19], $0x4000  }
0x5a: {  	s29 =	sand.u32 $0x1, s26;
	s30 =	sand.u32 $0x380, s28;
	[sflag:s19] =	ssyncset.done $0x0  }
0x5b: {  	s31 =	sxor.u32 $0x1, s29;
	s0 =	sand.u32 $0x7C00, s28;
	[sflag:s19] =	ssyncadd.s32 $0xFFFFC000  }
0x5c: {  	s2 =	sshll.u32 s31, $0xE;
	s0 =	sadd.s32 s5, s0;
	_ =	swait.ge [sflag:s20], $0x80  }
0x5d: {  	s31 =	sshll.u32 s31, $0x7;
	s0 =	sor.u32 s30, s0;
	[sflag:s20] =	ssyncset.done $0x0  }
0x5e: {  	s2 =	sor.u32 $0x2900, s2;
	s0 =	sshrl.u32 s0, $0x3;
	[sflag:s20] =	ssyncadd.s32 $0xFFFFFF80  }
0x5f: {  	[tilespmem:s2], [sflag:$0x1] =	stream.indirect.gather [hbm4b:s4+s17], $0x80, s31, s17, $0xb8;
	[tilespmem:$0x1E900] =	vst v63  }
0x60: {  	s30 =	sshll.u32 s29, $0xE;
	s29 =	sshll.u32 s29, $0x7;
	s0 =	sadd.s32 s7, s0  }
0x61: {  	[tilespmem:s29], [sflag:$0x2] =	stream.linear.gather [hbm4b:s0+s3], $0x80, $0x38;
	[tilespmem:$0x1E900] =	vst v63  }
0x62: {  	s31 =	sor.u32 $0x2900, s30  }
0x63: {  	[spmem:s1] =	stream.indirect.scatter.add.f32 [tilespmem:s31], [sflag:$0x3], $0x80, s28, s17, $0xb8;
	[tilespmem:$0x1E900] =	vst v63  }
0x64: {  	s29 =	simm.s32 $0x180;
	_ =	swait.ge [sflag:s14], $0x4000  }
.LBB2_3:
0x65: {  	[sflag:s14] =	ssyncset.done $0x0  }
0x66: {  	s26 =	sadd.s32 $0x1, s26;
	s28 =	sadd.s32 $0x80, s28;
	s0 =	smov.u32 s29  }
0x67: {  	p1 =	seq.s32 s29, $0x2700;
	s29 =	sadd.s32 $0x80, s29;
	[sflag:s14] =	ssyncadd.s32 $0xFFFFC000  }
0x68: {  	s2 =	sand.u32 $0x1, s26;
	s30 =	sand.u32 $0x380, s0;
	_ =	swait.ge [sflag:s19], $0x4000  }
0x69: {  	s0 =	sand.u32 $0x7C00, s0;
	s31 =	sxor.u32 $0x1, s2;
	[sflag:s19] =	ssyncset.done $0x0  }
0x6a: {  	s0 =	sadd.s32 s5, s0;
	s13 =	sshll.u32 s31, $0xE;
	[sflag:s19] =	ssyncadd.s32 $0xFFFFC000  }
0x6b: {  	s31 =	sshll.u32 s31, $0x7;
	s13 =	sor.u32 $0x2900, s13;
	_ =	swait.ge [sflag:s20], $0x80  }
0x6c: {  	s21 =	sshll.u32 s2, $0xE;
	s0 =	sor.u32 s30, s0;
	[sflag:s20] =	ssyncset.done $0x0  }
0x6d: {  	s2 =	sshll.u32 s2, $0x7;
	s0 =	sshrl.u32 s0, $0x3;
	[sflag:s20] =	ssyncadd.s32 $0xFFFFFF80  }
0x6e: {  	[tilespmem:s13], [sflag:$0x1] =	stream.indirect.gather [hbm4b:s4+s17], $0x80, s31, s17, $0xb8;
	[tilespmem:$0x1E900] =	vst v63  }
.Ltmp5:
0x6f: {  	s0 =	sadd.s32 s7, s0;
	s13 =	sor.u32 $0x2900, s21;
	(pc) =	sbr.rel @!p1 .LBB2_3-.Ltmp5, $4  }
0x70: {  	[tilespmem:s2], [sflag:$0x2] =	stream.linear.gather [hbm4b:s0+s3], $0x80, $0x38;
	[tilespmem:$0x1E900] =	vst v63  }
0x71: {  	_ = 	snop  }
0x72: {  	[spmem:s1] =	stream.indirect.scatter.add.f32 [tilespmem:s13], [sflag:$0x3], $0x80, s28, s17, $0xb8;
	[tilespmem:$0x1E900] =	vst v63  }
0x73: {  	_ =	swait.ge [sflag:s14], $0x4000  }
0x74: {  	[sflag:s14] =	ssyncset.done $0x0  }
0x75: {  	[sflag:s14] =	ssyncadd.s32 $0xFFFFC000  }
0x76: {  	_ =	swait.ge [sflag:s19], $0x4000  }
0x77: {  	[sflag:s19] =	ssyncset.done $0x0  }
0x78: {  	[sflag:s19] =	ssyncadd.s32 $0xFFFFC000  }
0x79: {  	_ =	swait.ge [sflag:s20], $0x80  }
0x7a: {  	[sflag:s20] =	ssyncset.done $0x0  }
0x7b: {  	[sflag:s20] =	ssyncadd.s32 $0xFFFFFF80  }
0x7c: {  	[tilespmem:s18], [sflag:$0x1] =	stream.indirect.gather [hbm4b:s4+s17], $0x80, s3, s17, $0xb8;
	[tilespmem:$0x1E900] =	vst v63  }
.Ltmp6:
0x7d: {  	s0 =	simm.s32 $0x2780;
	(pc) =	sbr.rel .LBB2_8-.Ltmp6, $4  }
0x7e: {  	[spmem:s1] =	stream.indirect.scatter.add.f32 [tilespmem:s22], [sflag:$0x3], $0x80, s0, s17, $0xb8;
	[tilespmem:$0x1E900] =	vst v63  }
0x7f: {  	_ =	swait.ge [sflag:s14], $0x4000  }
0x80: {  	[sflag:s14] =	ssyncset.done $0x0  }
0x81: {  	[sflag:s14] =	ssyncadd.s32 $0xFFFFC000  }
.LBB2_9:
0x82: {  	_ =	sfence.sel $0x180000  }
0x83: {  	[bflag:$0x0] =	sbarrier.arrive $0xFFFF  }
0x84: {  	_ =	strace $0x9000004D  }
0x85: {  	s0 =	stileid.u32;
	[bflag:$0x2] =	sbarrier.arrive $0xFFFF  }
0x86: {  	p0 =	sne.s32 s0, $0x0;
	s0 =	rddreg [dreg:$0x2]  }
0x87: {  	s0 =	sadd.s32 @!p0 $0x100000, s0  }
0x88: {  	[sflag:s0] =	ssyncadd.tile.s32 @!p0 $0x1;
	_ =	shalt  }
.Lfunc_end2:
_tile_overlayer_lowered:
.L_overlay_start_2:
0x89: {  	(tag) =	ssettag $0x2  }
0x8a: {  	s0 =	rddreg [dreg:$0x0];
	s2 =	stileid.u32  }
0x8b: {  	s1 =	rddreg [dreg:$0x1];
	p0 =	sne.s32 s2, $0x0  }
0x8c: {  	s3 =	rddreg [dreg:$0x2];
	[bflag:$0x3] =	sbarrier.arrive $0xFFFF;
	s2 =	simm.s32 @!p0 $0x1C03  }
0x8d: {  	[timem:s3], [sflag:s2] =	dma.local @!p0 [hbm:s0], s1  }
0x8e: {  	s0 =	simm.s32 @!p0 $0x3  }
0x8f: {  	_ =	swait.ge @!p0 [sflag:s0], s1  }
0x90: {  	s1 =	ssub.s32 @!p0 $0x0, s1;
	[sflag:s0] =	ssyncset.done @!p0 $0x0  }
0x91: {  	[sflag:s0] =	ssyncadd.s32 @!p0 s1  }
0x92: {  	[bflag:$0x3] =	sbarrier.arrive $0xFFFF  }
0x93: {  	_ =	shalt  }

// kernel: kernel.8.cloned.1.call-start
scs
__scs_entry_jumppad:
0x0: {  	(pc) =	sbr.rel $0x88, $3  }
0x1: {  	(tag) =	ssettag $0x0;
	lr =	simm.s32 $0x1  }
0x2: {  	[smem:$0x3F97] =	sst lr;
	_ =	strace $0xD0000000  }
0x3: {  	_ = 	snop  }
0x4: {  	_ = 	snop  }
0x5: {  	_ = 	snop  }
0x6: {  	_ = 	snop  }
0x7: {  	_ = 	snop  }
__scs_overlays_trampoline_lowered:
0x8: {  	[smem:$0x3FA6] =	sst s0  }
0x9: {  	[smem:$0x3FA7] =	sst s1  }
0xa: {  	[smem:$0x3FA8] =	sst s2  }
0xb: {  	[smem:$0x3FA9] =	sst s3  }
0xc: {  	[smem:$0x3FAA] =	sst s4  }
0xd: {  	[smem:$0x3FAB] =	sst s5  }
0xe: {  	[smem:$0x3FAC] =	sst s6  }
0xf: {  	[smem:$0x3FAD] =	sst s7  }
0x10: {  	[smem:$0x3FAE] =	sst s8  }
0x11: {  	[smem:$0x3FAF] =	sst s9;
	s0 =	simm.s32 @!p0 $0x0  }
0x12: {  	s1 =	sld [smem:$0x3F95];
	s0 =	simm.s32 @p0 $0x1  }
0x13: {  	[smem:$0x3FB0] =	sst s0;
	s0 =	simm.s32 @!p1 $0x0  }
0x14: {  	s2 =	sld [smem:$0x3F94];
	s0 =	simm.s32 @p1 $0x1  }
0x15: {  	[smem:$0x3FB1] =	sst s0;
	s0 =	simm.s32 @!p2 $0x0  }
0x16: {  	s3 =	sld [smem:$0x3FDB];
	s0 =	simm.s32 @p2 $0x1  }
0x17: {  	s4 =	simm.s32 $0x1BF5;
	[smem:$0x3FB3] =	sst s0  }
0x18: {  	s0 =	sld [smem:$0x3F96];
	_ =	swait.ge [sflag:s4], $0x0  }
0x19: {  	s7 =	sld [smem:$0x3F97]  }
0x1a: {  	s8 =	sadd.s32 $0xFFFFE003, lr  }
0x1b: {  	s9 =	sadd.s32 $0xFFFFFEF7, lr;
	s5 =	simm.s32 $0xFFFFFFFF;
	p2 =	slt.u32 s8, $0xFFFFF086  }
0x1c: {  	p1 =	slt.u32 s9, $0xF7A;
	s5 =	simm.s32 @!p2 $0x0  }
0x1d: {  	s5 =	simm.s32 @p1 $0x1;
	p0 =	seq.s32 s7, s2  }
0x1e: {  	s7 =	smul.u32 @!p0 $0xF7A, s2;
	p2 =	seq.s32 @!p0 s5, $0x0  }
0x1f: {  	s9 =	smul.u32 $0xF7A, s1;
	s8 =	simm.s32 @!p0 $0x1BF5;
	p2 =	por !p2, p0  }
0x20: {  	[sflag:s8] =	ssyncset.s32 @!p0 $0xFFFFF086;
	s6 =	sadd.s32 @!p0 s3, s7;
	s7 =	simm.s32 @!p0 $0x108  }
0x21: {  	s3 =	sadd.s32 s3, s9;
	s6 =	sadd.s32 @!p0 $0x88, s6;
	s7 =	simm.s32 @p2 $0x1082  }
0x22: {  	[simem:s7], [sflag:s8] =	dma.local @!p0 [hbm:s6], $0xF7A  }
0x23: {  	s9 =	sor.u32 $0xD0000000, s2;
	s6 =	simm.s32 $0x108;
	_ =	swait.ge @!p0 [sflag:s8], $0x0  }
0x24: {  	s3 =	sadd.s32 $0x88, s3;
	s6 =	simm.s32 @!p1 $0x1082;
	[sflag:s4] =	ssyncset.s32 $0xFFFFF086  }
0x25: {  	[simem:s6], [sflag:s4] =	dma.local [hbm:s3], $0xF7A  }
0x26: {  	[smem:$0x3F97] =	sst s1;
	(tag) =	ssettag s2;
	_ =	strace s9  }
0x27: {  	s1 =	sld [smem:$0x3FA7]  }
0x28: {  	s2 =	sld [smem:$0x3FA8]  }
0x29: {  	s4 =	sld [smem:$0x3FAA]  }
0x2a: {  	p0 =	seq.s32 s5, $0x0;
	s5 =	sld [smem:$0x3FAB]  }
0x2b: {  	s6 =	sld [smem:$0x3FAC]  }
0x2c: {  	s7 =	sld [smem:$0x3FAD]  }
0x2d: {  	s3 =	simm.s32 $0x108;
	s8 =	sld [smem:$0x3FAE]  }
0x2e: {  	s3 =	simm.s32 @!p0 $0x1082;
	s9 =	sld [smem:$0x3FAF]  }
0x2f: {  	lr =	sadd.s32 s0, s3;
	s0 =	sld [smem:$0x3FA6]  }
0x30: {  	s3 =	sld [smem:$0x3FA9]  }
0x31: {  	[smem:$0x3FB2] =	sst s10  }
0x32: {  	s10 =	sld [smem:$0x3FB0];
	_ =	sdelay $0x3  }
0x33: {  	p0 =	seq.s32 s10, $0x1;
	s10 =	sld [smem:$0x3FB2];
	_ =	sdelay $0x3  }
0x34: {  	[smem:$0x3FB2] =	sst s10  }
0x35: {  	s10 =	sld [smem:$0x3FB1];
	_ =	sdelay $0x3  }
0x36: {  	p1 =	seq.s32 s10, $0x1;
	s10 =	sld [smem:$0x3FB2];
	_ =	sdelay $0x3  }
0x37: {  	[smem:$0x3FB2] =	sst s10  }
0x38: {  	s10 =	sld [smem:$0x3FB3]  }
0x39: {  	_ = 	snop;
	(pc) =	sbr.ind lr, $3  }
0x3a: {  	_ = 	snop  }
0x3b: {  	_ = 	snop  }
0x3c: {  	p2 =	seq.s32 s10, $0x1;
	s10 =	sld [smem:$0x3FB2]  }
0x3d: {  	_ =	shalt  }
0x3e: {  	_ =	shalt  }
0x3f: {  	_ =	shalt  }
0x40: {  	_ =	shalt  }
0x41: {  	_ =	shalt  }
0x42: {  	_ =	shalt  }
0x43: {  	_ =	shalt  }
0x44: {  	_ =	shalt  }
0x45: {  	_ =	shalt  }
0x46: {  	_ =	shalt  }
0x47: {  	_ =	shalt  }
0x48: {  	_ =	shalt  }
0x49: {  	_ =	shalt  }
0x4a: {  	_ =	shalt  }
0x4b: {  	_ =	shalt  }
0x4c: {  	_ =	shalt  }
0x4d: {  	_ =	shalt  }
0x4e: {  	_ =	shalt  }
0x4f: {  	_ =	shalt  }
0x50: {  	_ =	shalt  }
0x51: {  	_ =	shalt  }
0x52: {  	_ =	shalt  }
0x53: {  	_ =	shalt  }
0x54: {  	_ =	shalt  }
0x55: {  	_ =	shalt  }
0x56: {  	_ =	shalt  }
0x57: {  	_ =	shalt  }
0x58: {  	_ =	shalt  }
0x59: {  	_ =	shalt  }
0x5a: {  	_ =	shalt  }
0x5b: {  	_ =	shalt  }
0x5c: {  	_ =	shalt  }
0x5d: {  	_ =	shalt  }
0x5e: {  	_ =	shalt  }
0x5f: {  	_ =	shalt  }
0x60: {  	_ =	shalt  }
0x61: {  	_ =	shalt  }
0x62: {  	_ =	shalt  }
0x63: {  	_ =	shalt  }
0x64: {  	_ =	shalt  }
0x65: {  	_ =	shalt  }
0x66: {  	_ =	shalt  }
0x67: {  	_ =	shalt  }
0x68: {  	_ =	shalt  }
0x69: {  	_ =	shalt  }
0x6a: {  	_ =	shalt  }
0x6b: {  	_ =	shalt  }
0x6c: {  	_ =	shalt  }
0x6d: {  	_ =	shalt  }
0x6e: {  	_ =	shalt  }
0x6f: {  	_ =	shalt  }
0x70: {  	_ =	shalt  }
0x71: {  	_ =	shalt  }
0x72: {  	_ =	shalt  }
0x73: {  	_ =	shalt  }
0x74: {  	_ =	shalt  }
0x75: {  	_ =	shalt  }
0x76: {  	_ =	shalt  }
0x77: {  	_ =	shalt  }
0x78: {  	_ =	shalt  }
0x79: {  	_ =	shalt  }
0x7a: {  	_ =	shalt  }
0x7b: {  	_ =	shalt  }
0x7c: {  	_ =	shalt  }
0x7d: {  	_ =	shalt  }
0x7e: {  	_ =	shalt  }
0x7f: {  	_ =	shalt  }
0x80: {  	_ =	shalt  }
0x81: {  	_ =	shalt  }
0x82: {  	_ =	shalt  }
0x83: {  	_ =	shalt  }
0x84: {  	_ =	shalt  }
0x85: {  	_ =	shalt  }
0x86: {  	_ =	shalt  }
0x87: {  	_ =	shalt  }
.Lfunc_end0:
.L_simem_size_0:
called_computation_lowered:
.L_overlay_start_0:
0x88: {  	s2 =	sld [smem:$0x3FD9]  }
0x89: {  	s3 =	sld [smem:$0x3FFE];
	_ =	sdelay $0x1  }
0x8a: {  	s1 =	srdreg.scid  }
0x8b: {  	s0 =	sand.u32 $0x1, s1  }
0x8c: {  	s17 =	sshll.u32 s0, $0xA;
	s2 =	sadd.s32 s3, s2  }
0x8d: {  	s2 =	sadd.s32 s2, s17  }
0x8e: {  	[smem:$0x3FBE] =	sst s2  }
0x8f: {  	_ = 	snop  }
0x90: {  	s2 =	sld [smem:$0x3FD0];
	(tm) =	ssettm $0x1  }
0x91: {  	s18 =	sld [smem:$0x3FFB];
	_ =	sdelay $0x3  }
0x92: {  	_ =	strace s18  }
0x93: {  	s3 =	sld [smem:$0x3FFC];
	_ =	sdelay $0x3  }
0x94: {  	_ =	strace s3  }
0x95: {  	s3 =	sld [smem:$0x3FFD];
	_ =	sdelay $0x3  }
0x96: {  	_ =	strace s3  }
0x97: {  	_ =	strace $0x8FFFFFFF  }
0x98: {  	s19 =	sld [smem:$0x3FDB];
	_ =	sdelay $0x1  }
0x99: {  	s4 =	simm.s32 $_scs_section_size  }
0x9a: {  	s5 =	simm.s32 $_size__tile_overlayer_lowered;
	s6 =	simm.s32 $_tile_overlayer_lowered  }
0x9b: {  	s22 =	simm.s32 $0x1BFF;
	s21 =	sshll.u32 s6, $0x1;
	s3 =	sadd.s32 s4, s19  }
0x9c: {  	s7 =	simm.s32 $0x0;
	s20 =	sshll.u32 s5, $0x1;
	s5 =	sadd.s32 s21, s3  }
0x9d: {  	[timem:s7], [sflag:s22] =	dma.local [hbm:s5], s20  }
0x9e: {  	_ =	swait.ge [sflag:s22], s20  }
0x9f: {  	s4 =	ssub.s32 $0x0, s20;
	[sflag:s22] =	ssyncset.done $0x0  }
0xa0: {  	[sflag:s22] =	ssyncadd.s32 s4;
	_ =	sdelay $0x1  }
0xa1: {  	s23 =	simm.s32 $0x1B8B  }
0xa2: {  	_ =	swait.ge [sflag:s23], $0x1  }
0xa3: {  	[sflag:s23] =	ssyncset.done $0x0  }
0xa4: {  	s25 =	simm.s32 $0x1B8E;
	s24 =	sld [smem:$0x3FFE];
	[sflag:s23] =	ssyncadd.s32 $0xFFFFFFFF  }
0xa5: {  	s26 =	simm.s32 $execute0_lowered;
	[smem:$0x3FD2] =	sst s25  }
0xa6: {  	s5 =	sshll.u32 s26, $0x1;
	_ =	strace $0x80000046;
	[dreg:$0x1] =	wrdreg $0xFFFFFFFF  }
0xa7: {  	s28 =	simm.s32 $_size_execute0_lowered;
	s3 =	sadd.s32 s3, s5;
	[dreg:$0x0] =	wrdreg $0x0  }
0xa8: {  	s5 =	sshll.u32 s28, $0x1;
	[dreg:$0x2] =	wrdreg s3  }
0xa9: {  	[dreg:$0x3] =	wrdreg s5  }
0xaa: {  	[dreg:$0x4] =	wrdreg $0xC0  }
0xab: {  	_ =	task [dreg:s7], $0x5FFFF  }
0xac: {  	[dreg:$0x1] =	wrdreg $0xFFFFFFFF  }
0xad: {  	[dreg:$0x0] =	wrdreg $0x60  }
0xae: {  	[dreg:$0x2] =	wrdreg s2  }
0xaf: {  	[dreg:$0x3] =	wrdreg s24  }
0xb0: {  	[dreg:$0x4] =	wrdreg $0x40800  }
0xb1: {  	[dreg:$0x5] =	wrdreg $0x9  }
0xb2: {  	_ =	task.clear_ibuf [dreg:s7], $0x6FFFF;
	_ =	strace $0x90000046  }
0xb3: {  	s29 =	simm.s32 $0x9;
	_ =	strace $0x80000048  }
0xb4: {  	_ =	swait.ge [sflag:s29], $0x1  }
0xb5: {  	[sflag:s29] =	ssyncadd.s32 $0xFFFFFFFF  }
0xb6: {  	_ =	strace $0x90000048  }
0xb7: {  	_ =	sfence  }
0xb8: {  	s30 =	sld [smem:$0x0];
	_ =	sdelay $0x2  }
0xb9: {  	s31 =	sshll.u32 s1, $0xD;
	s1 =	sshrl.u32 s1, $0x2  }
0xba: {  	s3 =	sand.u32 $0x4000, s31;
	s1 =	sadd.s32 s1, s30  }
0xbb: {  	s0 =	sor.u32 s3, s0;
	s1 =	sshll.u32 s1, $0x11  }
0xbc: {  	s0 =	sor.u32 s1, s0  }
0xbd: {  	s0 =	sadd.s32 $0x8F2B, s0  }
0xbe: {  	[sflag:s0] =	ssyncadd.remote.s32 $0x1  }
0xbf: {  	_ =	sfence.sel $0xFFFF  }
0xc0: {  	[dreg:$0x0] =	wrdreg $0xFFFFFFFF;
	(pc) =	sbr.abs _section_cstart, $3  }
0xc1: {  	[dreg:$0x1] =	wrdreg $0xFFFFFFFF  }
0xc2: {  	_ =	task.clear_ibuf [dreg:s7], $0x2FFFF;
	_ =	strace $0x9FFFFFFF  }
0xc3: {  	(tm) =	ssettm $0x7FFFFFFF  }
tec
execute0_lowered:
.L_overlay_start_1:
0x0: {  	(tag) =	ssettag $0x1  }
0x1: {  	s6 =	rddreg [dreg:$0x0]  }
0x2: {  	s3 =	rddreg [dreg:$0x1]  }
0x3: {  	s1 =	rddreg [dreg:$0x2]  }
0x4: {  	s0 =	rddreg [dreg:$0x3];
	s2 =	simm.s32 $0x0  }
0x5: {  	s4 =	srdreg.scid;
	s13 =	simm.s32 $0x1;
	s16 =	simm.s32 $0x10  }
0x6: {  	s17 =	simm.s32 $0x0;
	[smem:$0x7FF] =	sst s2;
	s7 =	sand.u32 $0x1, s4  }
0x7: {  	s4 =	sadd.s32 $0x3400, s3;
	s5 =	sadd.s32 $0x3600, s3;
	_ =	strace $0x80000047  }
0x8: {  	s8 =	sshll.u32 s7, $0x4;
	s9 =	ssub.s32 $0x2, s7;
	s7 =	sshll.u32 s7, $0xF  }
0x9: {  	s8 =	sadd.s32 s8, s3;
	s3 =	stileid.u32;
	s12 =	sshrl.u32 s9, $0x1  }
0xa: {  	s10 =	sshll.u32 s3, $0xB;
	s11 =	smul.u32 $0xA00, s3;
	s9 =	ssub.s32 s9, s12  }
0xb: {  	s14 =	sadd.s32 $0x3800, s8;
	s15 =	smul.u32 $0xA0, s3;
	s8 =	simm.s32 $0x2  }
0xc: {  	s31 =	sshll.u32 s3, $0x6;
	s12 =	simm.s32 $0x28;
	s6 =	sadd.s32 s6, s10  }
0xd: {  	s10 =	sor.u32 $0x1C02, s31;
	s6 =	sadd.s32 s7, s6;
	s30 =	sshrl.u32 s11, $0x2  }
0xe: {  	s7 =	smax.u32 s9, $0x1;
	s9 =	simm.s32 $0x4000;
	s11 =	sadd.s32 s30, s1  }
0xf: {  	s14 =	sadd.s32 s15, s14;
	s15 =	simm.s32 $0x20;
	s11 =	sshrl.u32 s11, $0x3  }
.LBB2_1:
0x10: {  	[tilespmem:s2], [sflag:$0x2] =	stream.linear.gather [hbm4b:s6+s2], $0x3E80, $0x38;
	[tilespmem:$0x4300] =	vst v63  }
0x11: {  	_ =	swait.ge [sflag:s8], $0x3E80  }
0x12: {  	[sflag:s8] =	ssyncset.done $0x0  }
0x13: {  	[sflag:s8] =	ssyncadd.s32 $0xFFFFC180  }
0x14: {  	[tilespmem:s9], [sflag:$0x2] =	stream.linear.gather [hbm4b:s4+s2], $0x80, $0x38;
	[tilespmem:$0x4300] =	vst v63  }
0x15: {  	_ =	swait.ge [sflag:s8], $0x80  }
0x16: {  	[sflag:s8] =	ssyncset.done $0x0  }
0x17: {  	[sflag:s8] =	ssyncadd.s32 $0xFFFFFF80  }
0x18: {  	[spmem:s11], [sflag:s10] =	dma.local [hbm:s5], $0x50  }
0x19: {  	_ =	swait.ge [sflag:s8], $0x50  }
0x1a: {  	[sflag:s8] =	ssyncset.done $0x0  }
0x1b: {  	[sflag:s8] =	ssyncadd.s32 $0xFFFFFFB0  }
0x1c: {  	s18 =	simm.s32 $0x0;
	[bflag:$0x0] =	sbarrier.arrive $0xFFFF  }
0x1d: {  	[spmem:s1] =	stream.indirect.scatter.add.f32 [tilespmem:s9], [sflag:$0x1], $0x1, s18, s12, $0xb8;
	[tilespmem:$0x4300] =	vst v63  }
0x1e: {  	s28 =	simm.s32 $0x80  }
0x1f: {  	[spmem:s1] =	stream.indirect.scatter.add.f32 [tilespmem:s9], [sflag:$0x1], $0x1, s28, s12, $0xb8;
	[tilespmem:$0x4300] =	vst v63  }
0x20: {  	s29 =	simm.s32 $0x100  }
0x21: {  	[spmem:s1] =	stream.indirect.scatter.add.f32 [tilespmem:s9], [sflag:$0x1], $0x1, s29, s12, $0xb8;
	[tilespmem:$0x4300] =	vst v63  }
0x22: {  	s30 =	simm.s32 $0x180  }
0x23: {  	[spmem:s1] =	stream.indirect.scatter.add.f32 [tilespmem:s9], [sflag:$0x1], $0x1, s30, s12, $0xb8;
	[tilespmem:$0x4300] =	vst v63  }
0x24: {  	s31 =	simm.s32 $0x200  }
0x25: {  	[spmem:s1] =	stream.indirect.scatter.add.f32 [tilespmem:s9], [sflag:$0x1], $0x1, s31, s12, $0xb8;
	[tilespmem:$0x4300] =	vst v63  }
0x26: {  	_ =	swait.ge [sflag:s13], $0x28  }
0x27: {  	[sflag:s13] =	ssyncset.done $0x0  }
0x28: {  	[sflag:s13] =	ssyncadd.s32 $0xFFFFFFD8  }
0x29: {  	_ =	swait.ge [sflag:s13], $0x28  }
0x2a: {  	[sflag:s13] =	ssyncset.done $0x0  }
0x2b: {  	[sflag:s13] =	ssyncadd.s32 $0xFFFFFFD8  }
0x2c: {  	_ =	swait.ge [sflag:s13], $0x28  }
0x2d: {  	[sflag:s13] =	ssyncset.done $0x0  }
0x2e: {  	[sflag:s13] =	ssyncadd.s32 $0xFFFFFFD8  }
0x2f: {  	_ =	swait.ge [sflag:s13], $0x28  }
0x30: {  	[sflag:s13] =	ssyncset.done $0x0  }
0x31: {  	[sflag:s13] =	ssyncadd.s32 $0xFFFFFFD8  }
0x32: {  	_ =	swait.ge [sflag:s13], $0x28  }
0x33: {  	s19 =	simm.s32 $0x1400;
	s18 =	simm.s32 $0xA00;
	[sflag:s13] =	ssyncset.done $0x0  }
.LBB2_2:
0x34: {  	s20 =	sshra.s32 s18, $0x2  }
0x35: {  	[sflag:s13] =	ssyncadd.s32 $0xFFFFFFD8;
	s18 =	smov.u32 s19;
	s21 =	sadd.s32 $0xA00, s19  }
0x36: {  	[spmem:s1] =	stream.indirect.scatter.add.f32 [tilespmem:s9], [sflag:$0x1], $0x1, s20, s12, $0xb8;
	[tilespmem:$0x4300] =	vst v63  }
0x37: {  	p0 =	sne.s32 s19, $0xF000;
	s19 =	sadd.s32 $0x80, s20  }
0x38: {  	[spmem:s1] =	stream.indirect.scatter.add.f32 [tilespmem:s9], [sflag:$0x1], $0x1, s19, s12, $0xb8;
	[tilespmem:$0x4300] =	vst v63  }
0x39: {  	s19 =	sadd.s32 $0x100, s20  }
0x3a: {  	[spmem:s1] =	stream.indirect.scatter.add.f32 [tilespmem:s9], [sflag:$0x1], $0x1, s19, s12, $0xb8;
	[tilespmem:$0x4300] =	vst v63  }
0x3b: {  	s19 =	sadd.s32 $0x180, s20  }
0x3c: {  	[spmem:s1] =	stream.indirect.scatter.add.f32 [tilespmem:s9], [sflag:$0x1], $0x1, s19, s12, $0xb8;
	[tilespmem:$0x4300] =	vst v63  }
0x3d: {  	s19 =	sadd.s32 $0x200, s20  }
0x3e: {  	[spmem:s1] =	stream.indirect.scatter.add.f32 [tilespmem:s9], [sflag:$0x1], $0x1, s19, s12, $0xb8;
	[tilespmem:$0x4300] =	vst v63  }
0x3f: {  	_ =	swait.ge [sflag:s13], $0x28  }
0x40: {  	[sflag:s13] =	ssyncset.done $0x0  }
0x41: {  	[sflag:s13] =	ssyncadd.s32 $0xFFFFFFD8  }
0x42: {  	_ =	swait.ge [sflag:s13], $0x28  }
0x43: {  	[sflag:s13] =	ssyncset.done $0x0  }
0x44: {  	[sflag:s13] =	ssyncadd.s32 $0xFFFFFFD8  }
0x45: {  	_ =	swait.ge [sflag:s13], $0x28  }
0x46: {  	[sflag:s13] =	ssyncset.done $0x0  }
0x47: {  	[sflag:s13] =	ssyncadd.s32 $0xFFFFFFD8  }
.Ltmp0:
0x48: {  	_ =	swait.ge [sflag:s13], $0x28;
	(pc) =	sbr.rel @p0 .LBB2_2-.Ltmp0, $4  }
0x49: {  	[sflag:s13] =	ssyncset.done $0x0  }
0x4a: {  	[sflag:s13] =	ssyncadd.s32 $0xFFFFFFD8  }
0x4b: {  	_ =	swait.ge [sflag:s13], $0x28  }
0x4c: {  	s19 =	smov.u32 s21;
	[sflag:s13] =	ssyncset.done $0x0  }
0x4d: {  	s18 =	sshra.s32 s18, $0x2;
	[sflag:s13] =	ssyncadd.s32 $0xFFFFFFD8  }
0x4e: {  	[spmem:s1] =	stream.indirect.scatter.add.f32 [tilespmem:s9], [sflag:$0x1], $0x1, s18, s12, $0xb8;
	[tilespmem:$0x4300] =	vst v63  }
0x4f: {  	s19 =	sadd.s32 $0x80, s18  }
0x50: {  	[spmem:s1] =	stream.indirect.scatter.add.f32 [tilespmem:s9], [sflag:$0x1], $0x1, s19, s12, $0xb8;
	[tilespmem:$0x4300] =	vst v63  }
0x51: {  	s30 =	sadd.s32 $0x100, s18  }
0x52: {  	[spmem:s1] =	stream.indirect.scatter.add.f32 [tilespmem:s9], [sflag:$0x1], $0x1, s30, s12, $0xb8;
	[tilespmem:$0x4300] =	vst v63  }
0x53: {  	s31 =	sadd.s32 $0x180, s18  }
0x54: {  	[spmem:s1] =	stream.indirect.scatter.add.f32 [tilespmem:s9], [sflag:$0x1], $0x1, s31, s12, $0xb8;
	[tilespmem:$0x4300] =	vst v63  }
0x55: {  	s18 =	sadd.s32 $0x200, s18  }
0x56: {  	[spmem:s1] =	stream.indirect.scatter.add.f32 [tilespmem:s9], [sflag:$0x1], $0x1, s18, s12, $0xb8;
	[tilespmem:$0x4300] =	vst v63  }
0x57: {  	_ =	swait.ge [sflag:s13], $0x28  }
0x58: {  	[sflag:s13] =	ssyncset.done $0x0  }
0x59: {  	[sflag:s13] =	ssyncadd.s32 $0xFFFFFFD8  }
0x5a: {  	_ =	swait.ge [sflag:s13], $0x28  }
0x5b: {  	[sflag:s13] =	ssyncset.done $0x0  }
0x5c: {  	[sflag:s13] =	ssyncadd.s32 $0xFFFFFFD8  }
0x5d: {  	_ =	swait.ge [sflag:s13], $0x28  }
0x5e: {  	[sflag:s13] =	ssyncset.done $0x0  }
0x5f: {  	[sflag:s13] =	ssyncadd.s32 $0xFFFFFFD8  }
0x60: {  	_ =	swait.ge [sflag:s13], $0x28  }
0x61: {  	[sflag:s13] =	ssyncset.done $0x0  }
0x62: {  	[sflag:s13] =	ssyncadd.s32 $0xFFFFFFD8  }
0x63: {  	_ =	swait.ge [sflag:s13], $0x28  }
0x64: {  	s17 =	sadd.s32 $0x1, s17;
	[sflag:s13] =	ssyncset.done $0x0  }
0x65: {  	p0 =	sne.s32 s17, s7;
	[sflag:s13] =	ssyncadd.s32 $0xFFFFFFD8  }
.Ltmp1:
0x66: {  	[bflag:$0x0] =	sbarrier.arrive $0xFFFF;
	(pc) =	sbr.rel @p0 .LBB2_1-.Ltmp1, $4  }
0x67: {  	[hbm:s14@s15], [sflag:s10] =	dma.strided [spmem:s11@s16], $0x50, s13, $0x10   }
0x68: {  	_ =	swait.ge [sflag:s8], $0x50  }
0x69: {  	[sflag:s8] =	ssyncset.done $0x0  }
0x6a: {  	[sflag:s8] =	ssyncadd.s32 $0xFFFFFFB0  }
0x6b: {  	_ =	sfence.sel $0x180000  }
0x6c: {  	[bflag:$0x0] =	sbarrier.arrive $0xFFFF  }
0x6d: {  	p0 =	sne.s32 s3, $0x0;
	_ =	strace $0x90000047  }
0x6e: {  	s0 =	sadd.s32 @!p0 $0x100000, s0;
	[bflag:$0x2] =	sbarrier.arrive $0xFFFF  }
0x6f: {  	[sflag:s0] =	ssyncadd.tile.s32 @!p0 $0x1;
	_ =	shalt  }
.Lfunc_end2:
_tile_overlayer_lowered:
.L_overlay_start_2:
0x70: {  	(tag) =	ssettag $0x2  }
0x71: {  	s0 =	rddreg [dreg:$0x0];
	s2 =	stileid.u32  }
0x72: {  	s1 =	rddreg [dreg:$0x1];
	p0 =	sne.s32 s2, $0x0  }
0x73: {  	s3 =	rddreg [dreg:$0x2];
	[bflag:$0x3] =	sbarrier.arrive $0xFFFF;
	s2 =	simm.s32 @!p0 $0x1C02  }
0x74: {  	[timem:s3], [sflag:s2] =	dma.local @!p0 [hbm:s0], s1  }
0x75: {  	s0 =	simm.s32 @!p0 $0x2  }
0x76: {  	_ =	swait.ge @!p0 [sflag:s0], s1  }
0x77: {  	s1 =	ssub.s32 @!p0 $0x0, s1;
	[sflag:s0] =	ssyncset.done @!p0 $0x0  }
0x78: {  	[sflag:s0] =	ssyncadd.s32 @!p0 s1  }
0x79: {  	[bflag:$0x3] =	sbarrier.arrive $0xFFFF  }
0x7a: {  	_ =	shalt  }

</sc_bundles>
